<compile_context>
chip_gen: v7x
topology: tpu7x:2x2x1
jax: 0.10.2.dev20260603
libtpu: 0.0.44.dev20260713+nightly
codegen_flags: <defaults>
</compile_context>

<pallas_src>
import functools

import jax
import jax.numpy as jnp
from jax import lax
from jax.experimental import pallas as pl
from jax.experimental.pallas import tpu as pltpu
from jax.experimental.pallas import tpu_sc as plsc

EPS = 1e-5
_CHUNK = 128


def _make_sc_gather(n_rows: int, d: int):
    info = plsc.get_sparse_core_info()
    nc, ns = info.num_cores, info.num_subcores
    nw = nc * ns
    assert n_rows % nw == 0
    b_per_w = n_rows // nw
    offs = list(range(0, b_per_w, _CHUNK))
    szs = [min(_CHUNK, b_per_w - o) for o in offs]
    n = len(offs)
    mesh = plsc.VectorSubcoreMesh(core_axis_name="c", subcore_axis_name="s")

    @functools.partial(
        pl.kernel,
        mesh=mesh,
        out_type=jax.ShapeDtypeStruct((n_rows, d), jnp.float32),
        scratch_types=[
            pltpu.VMEM((b_per_w,), jnp.int32),
            pltpu.VMEM((_CHUNK, d), jnp.float32),
            pltpu.VMEM((_CHUNK, d), jnp.float32),
            pltpu.SemaphoreType.DMA,
            pltpu.SemaphoreType.DMA,
            pltpu.SemaphoreType.DMA,
            pltpu.SemaphoreType.DMA,
        ],
    )
    def gather_kernel(table_hbm, idx_hbm, out_hbm, idx_v, buf_a, buf_b,
                      gs_a, gs_b, os_a, os_b):
        wid = lax.axis_index("s") * nc + lax.axis_index("c")
        base = wid * b_per_w
        pltpu.sync_copy(idx_hbm.at[pl.ds(base, b_per_w)], idx_v)
        bufs = (buf_a, buf_b)
        gsems = (gs_a, gs_b)
        osems = (os_a, os_b)

        def start_gather(k):
            i = k % 2
            h = pltpu.make_async_copy(
                table_hbm.at[idx_v.at[pl.ds(offs[k], szs[k])]],
                bufs[i].at[pl.ds(0, szs[k])],
                gsems[i])
            h.start()
            return h

        def start_out(k):
            i = k % 2
            h = pltpu.make_async_copy(
                bufs[i].at[pl.ds(0, szs[k])],
                out_hbm.at[pl.ds(base + offs[k], szs[k])],
                osems[i])
            h.start()
            return h

        g = {0: start_gather(0)}
        o = {}
        for k in range(n):
            if k + 1 < n:
                if k - 1 in o:
                    o[k - 1].wait()
                g[k + 1] = start_gather(k + 1)
            g[k].wait()
            o[k] = start_out(k)
        o[n - 1].wait()
        if n >= 2:
            o[n - 2].wait()

    return gather_kernel


def _ln_body(gath_ref, seg_ref, pos_ref, segtab_ref, gamma_ref, beta_ref,
             out_ref):
    x = gath_ref[...]
    sid = seg_ref[...].astype(jnp.float32)
    pos = pos_ref[...]
    st = segtab_ref[...]
    seg = st[0][None, None, :] + sid[:, :, None] * (st[1] - st[0])[None, None, :]
    comb = x + pos[:, None, :] + seg
    mean = jnp.mean(comb, axis=-1, keepdims=True)
    var = jnp.mean(jnp.square(comb - mean), axis=-1, keepdims=True)
    xhat = (comb - mean) * lax.rsqrt(var + EPS)
    out_ref[...] = (xhat * gamma_ref[...][None, None, :]
                    + beta_ref[...][None, None, :])


def _ln_call(gath3, seg_ids, pos, seg_table, gamma, beta, b_blk=128):
    l, b, d = gath3.shape
    grid = (b // b_blk,)
    return pl.pallas_call(
        _ln_body,
        grid=grid,
        in_specs=[
            pl.BlockSpec((l, b_blk, d), lambda i: (0, i, 0)),
            pl.BlockSpec((l, b_blk), lambda i: (0, i)),
            pl.BlockSpec((l, d), lambda i: (0, 0)),
            pl.BlockSpec((2, d), lambda i: (0, 0)),
            pl.BlockSpec((d,), lambda i: (0,)),
            pl.BlockSpec((d,), lambda i: (0,)),
        ],
        out_specs=pl.BlockSpec((l, b_blk, d), lambda i: (0, i, 0)),
        out_shape=jax.ShapeDtypeStruct((l, b, d), jnp.float32),
    )(gath3, seg_ids, pos, seg_table, gamma, beta)


def kernel(tokens, segment_ids, token_table, pos_table, seg_table, gamma,
           beta):
    b, l = tokens.shape
    d = token_table.shape[1]
    flat = tokens.swapaxes(0, 1).reshape(-1).astype(jnp.int32)
    gathered = _make_sc_gather(b * l, d)(token_table, flat)
    gath3 = gathered.reshape(l, b, d)
    seg_t = segment_ids.swapaxes(0, 1).astype(jnp.int32)
    out = _ln_call(gath3, seg_t, pos_table[:l], seg_table, gamma, beta)
    return out.swapaxes(0, 1)

# --- scband reference (transcript-rebuilt; emitter-appended) ---
"""Pipeline reference for scband-transformer-embedding-21715354648654 (READ-ONLY COPY).

The authoritative reference and input builder live on the scoring server;
editing this copy changes nothing except your own understanding.
"""

import jax, jax.numpy as jnp
import numpy as np

VOCAB = 100000
D_MODEL = 128
MAX_LEN = 512
NUM_SEGMENTS = 2
EPS = 1e-5

def setup_inputs(seed: int = 0) -> dict:
    key = jax.random.key(seed)
    k1, k2, k3, k4, k5 = jax.random.split(key, 5)
    tokens = jax.random.randint(k1, (1024, 50), 0, VOCAB, dtype=jnp.int64 if jax.config.jax_enable_x64 else jnp.int32)
    segment_ids = jax.random.randint(k2, (1024, 50), 0, NUM_SEGMENTS, dtype=jnp.int64 if jax.config.jax_enable_x64 else jnp.int32)
    token_table = jax.random.normal(k3, (VOCAB, D_MODEL), dtype=jnp.float32) * 0.02
    # padding_idx=0 -> row 0 is zeros, matching nn.Embedding(padding_idx=0)
    token_table = token_table.at[0].set(0.0)
    pos_table = jax.random.normal(k4, (MAX_LEN, D_MODEL), dtype=jnp.float32) * 0.02
    seg_table = jax.random.normal(k5, (NUM_SEGMENTS, D_MODEL), dtype=jnp.float32) * 0.02
    gamma = jnp.ones((D_MODEL,), dtype=jnp.float32)
    beta = jnp.zeros((D_MODEL,), dtype=jnp.float32)
    return {"tokens": tokens, "segment_ids": segment_ids, "token_table": token_table,
            "pos_table": pos_table, "seg_table": seg_table, "gamma": gamma, "beta": beta}

def _layer_norm(x, gamma, beta):
    mean = jnp.mean(x, axis=-1, keepdims=True)
    var = jnp.mean(jnp.square(x - mean), axis=-1, keepdims=True)
    xhat = (x - mean) / jnp.sqrt(var + EPS)
    return xhat * gamma + beta

def reference(tokens, segment_ids, token_table, pos_table, seg_table, gamma, beta):
    seq_len = tokens.shape[1]
    tok_emb = jnp.take(token_table, tokens, axis=0)          # [B, L, D]
    pos_ids = jnp.arange(seq_len)
    pos_emb = jnp.take(pos_table, pos_ids, axis=0)[None, :, :]  # [1, L, D]
    seg_emb = jnp.take(seg_table, segment_ids, axis=0)       # [B, L, D]
    combined = tok_emb + pos_emb + seg_emb
    x = _layer_norm(combined, gamma, beta)
    # dropout is identity in eval mode
    return x

if __name__ == "__main__":
    import jax
    _d = setup_inputs()
    print(jax.jit(kernel)(*tuple(_d.values())))

</pallas_src>

<mosaic_0001>
#map = affine_map<(d0, d1) -> (0, 0)>
#map1 = affine_map<(d0, d1) -> (0)>
module attributes {stable_mosaic.version = 14 : i64} {
  func.func @gather_kernel(%arg0: i32, %arg1: i32, %arg2: memref<100000x128xf32, #tpu.memory_space<hbm>>, %arg3: memref<51200xi32, #tpu.memory_space<hbm>>, %arg4: memref<51200x128xf32, #tpu.memory_space<hbm>>, %arg5: memref<1600xi32, #tpu.memory_space<vmem>>, %arg6: memref<128x128xf32, #tpu.memory_space<vmem>>, %arg7: memref<128x128xf32, #tpu.memory_space<vmem>>, %arg8: memref<!tpu.dma_semaphore, #tpu.memory_space<semaphore_mem>>, %arg9: memref<!tpu.dma_semaphore, #tpu.memory_space<semaphore_mem>>, %arg10: memref<!tpu.dma_semaphore, #tpu.memory_space<semaphore_mem>>, %arg11: memref<!tpu.dma_semaphore, #tpu.memory_space<semaphore_mem>>) attributes {dimension_semantics = [#tpu.dimension_semantics<core_parallel>, #tpu.dimension_semantics<subcore_parallel>], iteration_bounds = array<i64: 2, 16>, scalar_prefetch = 0 : i64, scratch_operands = 7 : i64, tpu.core_type = #tpu.core_type<sc_vector_subcore>, window_params = [{transform_indices = #map}, {transform_indices = #map1}, {transform_indices = #map}]} {
    %mul3A = arith.constant 2 : i32
    %mul3A_0 = arith.muli %arg1, %mul3A : i32
    %add3A = arith.addi %mul3A_0, %arg0 : i32
    %mul3A_1 = arith.constant 1600 : i32
    %mul3A_2 = arith.muli %add3A, %mul3A_1 : i32
    "tpu.region"() ({
      %run_scoped3A = tpu.sem_alloc : memref<!tpu.dma_semaphore, #tpu.memory_space<semaphore_mem>>
      %dma_start3A_495 = tpu.memref_slice %arg3[%mul3A_2] : memref<51200xi32, #tpu.memory_space<hbm>> -> memref<1600xi32, #tpu.memory_space<hbm>>
      %dma_start3A_496 = tpu.memref_slice %arg3[%mul3A_2] : memref<51200xi32, #tpu.memory_space<hbm>> -> memref<1600xi32, #tpu.memory_space<hbm>>
      tpu.enqueue_dma source(%dma_start3A_496 : memref<1600xi32, #tpu.memory_space<hbm>>) target(%arg5 : memref<1600xi32, #tpu.memory_space<vmem>>) target_semaphore(%run_scoped3A : memref<!tpu.dma_semaphore, #tpu.memory_space<semaphore_mem>>)
      %dma_wait3A_497 = tpu.memref_slice %arg3[%mul3A_2] : memref<51200xi32, #tpu.memory_space<hbm>> -> memref<1600xi32, #tpu.memory_space<hbm>>
      %dma_wait3A_498 = tpu.memref_slice %arg3[%mul3A_2] : memref<51200xi32, #tpu.memory_space<hbm>> -> memref<1600xi32, #tpu.memory_space<hbm>>
      tpu.wait_dma2 semaphore(%run_scoped3A : memref<!tpu.dma_semaphore, #tpu.memory_space<semaphore_mem>>) src(%dma_wait3A_498 : memref<1600xi32, #tpu.memory_space<hbm>>) dst(%arg5 : memref<1600xi32, #tpu.memory_space<vmem>>)
      tpu.yield
    }) : () -> ()
    %dma_start3A = arith.constant 0 : i32
    %dma_start3A_3 = arith.constant 0 : i32
    %dma_start3A_4 = tpu.memref_slice %arg6[%dma_start3A, %dma_start3A_3] : memref<128x128xf32, #tpu.memory_space<vmem>> -> memref<128x128xf32, #tpu.memory_space<vmem>>
    %dma_start3A_5 = arith.constant 0 : i32
    %dma_start3A_6 = tpu.memref_slice %arg5[%dma_start3A_5] : memref<1600xi32, #tpu.memory_space<vmem>> -> memref<128xi32, #tpu.memory_space<vmem>>
    %dma_start3A_7 = arith.constant 0 : i32
    %dma_start3A_8 = arith.constant 0 : i32
    %dma_start3A_9 = tpu.memref_slice %arg2[%dma_start3A_7, %dma_start3A_8] : memref<100000x128xf32, #tpu.memory_space<hbm>> -> memref<100000x128xf32, #tpu.memory_space<hbm>>
    tpu.enqueue_indirect_dma source(%dma_start3A_9 : memref<100000x128xf32, #tpu.memory_space<hbm>>) target(%dma_start3A_4 : memref<128x128xf32, #tpu.memory_space<vmem>>) offsets(%dma_start3A_6 : memref<128xi32, #tpu.memory_space<vmem>>) semaphore(%arg8 : memref<!tpu.dma_semaphore, #tpu.memory_space<semaphore_mem>>)
    %dma_start3A_10 = arith.constant 0 : i32
    %dma_start3A_11 = arith.constant 0 : i32
    %dma_start3A_12 = tpu.memref_slice %arg7[%dma_start3A_10, %dma_start3A_11] : memref<128x128xf32, #tpu.memory_space<vmem>> -> memref<128x128xf32, #tpu.memory_space<vmem>>
    %dma_start3A_13 = arith.constant 128 : i32
    %dma_start3A_14 = tpu.memref_slice %arg5[%dma_start3A_13] : memref<1600xi32, #tpu.memory_space<vmem>> -> memref<128xi32, #tpu.memory_space<vmem>>
    %dma_start3A_15 = arith.constant 0 : i32
    %dma_start3A_16 = arith.constant 0 : i32
    %dma_start3A_17 = tpu.memref_slice %arg2[%dma_start3A_15, %dma_start3A_16] : memref<100000x128xf32, #tpu.memory_space<hbm>> -> memref<100000x128xf32, #tpu.memory_space<hbm>>
    tpu.enqueue_indirect_dma source(%dma_start3A_17 : memref<100000x128xf32, #tpu.memory_space<hbm>>) target(%dma_start3A_12 : memref<128x128xf32, #tpu.memory_space<vmem>>) offsets(%dma_start3A_14 : memref<128xi32, #tpu.memory_space<vmem>>) semaphore(%arg9 : memref<!tpu.dma_semaphore, #tpu.memory_space<semaphore_mem>>)
    %dma_wait3A = arith.constant 0 : i32
    %dma_wait3A_18 = arith.constant 0 : i32
    %dma_wait3A_19 = tpu.memref_slice %arg6[%dma_wait3A, %dma_wait3A_18] : memref<128x128xf32, #tpu.memory_space<vmem>> -> memref<128x128xf32, #tpu.memory_space<vmem>>
    %dma_wait3A_20 = arith.constant 0 : i32
    %dma_wait3A_21 = tpu.memref_slice %arg5[%dma_wait3A_20] : memref<1600xi32, #tpu.memory_space<vmem>> -> memref<128xi32, #tpu.memory_space<vmem>>
    %dma_wait3A_22 = arith.constant 0 : i32
    %dma_wait3A_23 = arith.constant 0 : i32
    %dma_wait3A_24 = tpu.memref_slice %arg2[%dma_wait3A_22, %dma_wait3A_23] : memref<100000x128xf32, #tpu.memory_space<hbm>> -> memref<100000x128xf32, #tpu.memory_space<hbm>>
    tpu.wait_indirect_dma semaphore(%arg8 : memref<!tpu.dma_semaphore, #tpu.memory_space<semaphore_mem>>) src(%dma_wait3A_24 : memref<100000x128xf32, #tpu.memory_space<hbm>>) dst(%dma_wait3A_19 : memref<128x128xf32, #tpu.memory_space<vmem>>)
    %add3A_25 = arith.constant 0 : i32
    %add3A_26 = arith.addi %mul3A_2, %add3A_25 : i32
    %dma_start3A_27 = arith.constant 0 : i32
    %dma_start3A_28 = arith.constant 0 : i32
    %dma_start3A_29 = tpu.memref_slice %arg6[%dma_start3A_27, %dma_start3A_28] : memref<128x128xf32, #tpu.memory_space<vmem>> -> memref<128x128xf32, #tpu.memory_space<vmem>>
    %dma_start3A_30 = arith.constant 0 : i32
    %dma_start3A_31 = tpu.memref_slice %arg4[%add3A_26, %dma_start3A_30] : memref<51200x128xf32, #tpu.memory_space<hbm>> -> memref<128x128xf32, #tpu.memory_space<hbm>>
    %dma_start3A_32 = arith.constant 0 : i32
    %dma_start3A_33 = tpu.memref_slice %arg4[%add3A_26, %dma_start3A_32] : memref<51200x128xf32, #tpu.memory_space<hbm>> -> memref<128x128xf32, #tpu.memory_space<hbm>>
    %dma_start3A_34 = arith.constant 0 : i32
    %dma_start3A_35 = arith.constant 0 : i32
    %dma_start3A_36 = tpu.memref_slice %arg6[%dma_start3A_34, %dma_start3A_35] : memref<128x128xf32, #tpu.memory_space<vmem>> -> memref<128x128xf32, #tpu.memory_space<vmem>>
    tpu.enqueue_dma source(%dma_start3A_36 : memref<128x128xf32, #tpu.memory_space<vmem>>) target(%dma_start3A_33 : memref<128x128xf32, #tpu.memory_space<hbm>>) target_semaphore(%arg10 : memref<!tpu.dma_semaphore, #tpu.memory_space<semaphore_mem>>)
    %dma_wait3A_37 = arith.constant 0 : i32
    %dma_wait3A_38 = arith.constant 0 : i32
    %dma_wait3A_39 = tpu.memref_slice %arg6[%dma_wait3A_37, %dma_wait3A_38] : memref<128x128xf32, #tpu.memory_space<vmem>> -> memref<128x128xf32, #tpu.memory_space<vmem>>
    %dma_wait3A_40 = arith.constant 0 : i32
    %dma_wait3A_41 = tpu.memref_slice %arg4[%add3A_26, %dma_wait3A_40] : memref<51200x128xf32, #tpu.memory_space<hbm>> -> memref<128x128xf32, #tpu.memory_space<hbm>>
    %dma_wait3A_42 = arith.constant 0 : i32
    %dma_wait3A_43 = tpu.memref_slice %arg4[%add3A_26, %dma_wait3A_42] : memref<51200x128xf32, #tpu.memory_space<hbm>> -> memref<128x128xf32, #tpu.memory_space<hbm>>
    %dma_wait3A_44 = arith.constant 0 : i32
    %dma_wait3A_45 = arith.constant 0 : i32
    %dma_wait3A_46 = tpu.memref_slice %arg6[%dma_wait3A_44, %dma_wait3A_45] : memref<128x128xf32, #tpu.memory_space<vmem>> -> memref<128x128xf32, #tpu.memory_space<vmem>>
    tpu.wait_dma2 semaphore(%arg10 : memref<!tpu.dma_semaphore, #tpu.memory_space<semaphore_mem>>) src(%dma_wait3A_46 : memref<128x128xf32, #tpu.memory_space<vmem>>) dst(%dma_wait3A_43 : memref<128x128xf32, #tpu.memory_space<hbm>>)
    %dma_start3A_47 = arith.constant 0 : i32
    %dma_start3A_48 = arith.constant 0 : i32
    %dma_start3A_49 = tpu.memref_slice %arg6[%dma_start3A_47, %dma_start3A_48] : memref<128x128xf32, #tpu.memory_space<vmem>> -> memref<128x128xf32, #tpu.memory_space<vmem>>
    %dma_start3A_50 = arith.constant 256 : i32
    %dma_start3A_51 = tpu.memref_slice %arg5[%dma_start3A_50] : memref<1600xi32, #tpu.memory_space<vmem>> -> memref<128xi32, #tpu.memory_space<vmem>>
    %dma_start3A_52 = arith.constant 0 : i32
    %dma_start3A_53 = arith.constant 0 : i32
    %dma_start3A_54 = tpu.memref_slice %arg2[%dma_start3A_52, %dma_start3A_53] : memref<100000x128xf32, #tpu.memory_space<hbm>> -> memref<100000x128xf32, #tpu.memory_space<hbm>>
    tpu.enqueue_indirect_dma source(%dma_start3A_54 : memref<100000x128xf32, #tpu.memory_space<hbm>>) target(%dma_start3A_49 : memref<128x128xf32, #tpu.memory_space<vmem>>) offsets(%dma_start3A_51 : memref<128xi32, #tpu.memory_space<vmem>>) semaphore(%arg8 : memref<!tpu.dma_semaphore, #tpu.memory_space<semaphore_mem>>)
    %dma_wait3A_55 = arith.constant 0 : i32
    %dma_wait3A_56 = arith.constant 0 : i32
    %dma_wait3A_57 = tpu.memref_slice %arg7[%dma_wait3A_55, %dma_wait3A_56] : memref<128x128xf32, #tpu.memory_space<vmem>> -> memref<128x128xf32, #tpu.memory_space<vmem>>
    %dma_wait3A_58 = arith.constant 128 : i32
    %dma_wait3A_59 = tpu.memref_slice %arg5[%dma_wait3A_58] : memref<1600xi32, #tpu.memory_space<vmem>> -> memref<128xi32, #tpu.memory_space<vmem>>
    %dma_wait3A_60 = arith.constant 0 : i32
    %dma_wait3A_61 = arith.constant 0 : i32
    %dma_wait3A_62 = tpu.memref_slice %arg2[%dma_wait3A_60, %dma_wait3A_61] : memref<100000x128xf32, #tpu.memory_space<hbm>> -> memref<100000x128xf32, #tpu.memory_space<hbm>>
    tpu.wait_indirect_dma semaphore(%arg9 : memref<!tpu.dma_semaphore, #tpu.memory_space<semaphore_mem>>) src(%dma_wait3A_62 : memref<100000x128xf32, #tpu.memory_space<hbm>>) dst(%dma_wait3A_57 : memref<128x128xf32, #tpu.memory_space<vmem>>)
    %add3A_63 = arith.constant 128 : i32
    %add3A_64 = arith.addi %mul3A_2, %add3A_63 : i32
    %dma_start3A_65 = arith.constant 0 : i32
    %dma_start3A_66 = arith.constant 0 : i32
    %dma_start3A_67 = tpu.memref_slice %arg7[%dma_start3A_65, %dma_start3A_66] : memref<128x128xf32, #tpu.memory_space<vmem>> -> memref<128x128xf32, #tpu.memory_space<vmem>>
    %dma_start3A_68 = arith.constant 0 : i32
    %dma_start3A_69 = tpu.memref_slice %arg4[%add3A_64, %dma_start3A_68] : memref<51200x128xf32, #tpu.memory_space<hbm>> -> memref<128x128xf32, #tpu.memory_space<hbm>>
    %dma_start3A_70 = arith.constant 0 : i32
    %dma_start3A_71 = tpu.memref_slice %arg4[%add3A_64, %dma_start3A_70] : memref<51200x128xf32, #tpu.memory_space<hbm>> -> memref<128x128xf32, #tpu.memory_space<hbm>>
    %dma_start3A_72 = arith.constant 0 : i32
    %dma_start3A_73 = arith.constant 0 : i32
    %dma_start3A_74 = tpu.memref_slice %arg7[%dma_start3A_72, %dma_start3A_73] : memref<128x128xf32, #tpu.memory_space<vmem>> -> memref<128x128xf32, #tpu.memory_space<vmem>>
    tpu.enqueue_dma source(%dma_start3A_74 : memref<128x128xf32, #tpu.memory_space<vmem>>) target(%dma_start3A_71 : memref<128x128xf32, #tpu.memory_space<hbm>>) target_semaphore(%arg11 : memref<!tpu.dma_semaphore, #tpu.memory_space<semaphore_mem>>)
    %dma_wait3A_75 = arith.constant 0 : i32
    %dma_wait3A_76 = arith.constant 0 : i32
    %dma_wait3A_77 = tpu.memref_slice %arg7[%dma_wait3A_75, %dma_wait3A_76] : memref<128x128xf32, #tpu.memory_space<vmem>> -> memref<128x128xf32, #tpu.memory_space<vmem>>
    %dma_wait3A_78 = arith.constant 0 : i32
    %dma_wait3A_79 = tpu.memref_slice %arg4[%add3A_64, %dma_wait3A_78] : memref<51200x128xf32, #tpu.memory_space<hbm>> -> memref<128x128xf32, #tpu.memory_space<hbm>>
    %dma_wait3A_80 = arith.constant 0 : i32
    %dma_wait3A_81 = tpu.memref_slice %arg4[%add3A_64, %dma_wait3A_80] : memref<51200x128xf32, #tpu.memory_space<hbm>> -> memref<128x128xf32, #tpu.memory_space<hbm>>
    %dma_wait3A_82 = arith.constant 0 : i32
    %dma_wait3A_83 = arith.constant 0 : i32
    %dma_wait3A_84 = tpu.memref_slice %arg7[%dma_wait3A_82, %dma_wait3A_83] : memref<128x128xf32, #tpu.memory_space<vmem>> -> memref<128x128xf32, #tpu.memory_space<vmem>>
    tpu.wait_dma2 semaphore(%arg11 : memref<!tpu.dma_semaphore, #tpu.memory_space<semaphore_mem>>) src(%dma_wait3A_84 : memref<128x128xf32, #tpu.memory_space<vmem>>) dst(%dma_wait3A_81 : memref<128x128xf32, #tpu.memory_space<hbm>>)
    %dma_start3A_85 = arith.constant 0 : i32
    %dma_start3A_86 = arith.constant 0 : i32
    %dma_start3A_87 = tpu.memref_slice %arg7[%dma_start3A_85, %dma_start3A_86] : memref<128x128xf32, #tpu.memory_space<vmem>> -> memref<128x128xf32, #tpu.memory_space<vmem>>
    %dma_start3A_88 = arith.constant 384 : i32
    %dma_start3A_89 = tpu.memref_slice %arg5[%dma_start3A_88] : memref<1600xi32, #tpu.memory_space<vmem>> -> memref<128xi32, #tpu.memory_space<vmem>>
    %dma_start3A_90 = arith.constant 0 : i32
    %dma_start3A_91 = arith.constant 0 : i32
    %dma_start3A_92 = tpu.memref_slice %arg2[%dma_start3A_90, %dma_start3A_91] : memref<100000x128xf32, #tpu.memory_space<hbm>> -> memref<100000x128xf32, #tpu.memory_space<hbm>>
    tpu.enqueue_indirect_dma source(%dma_start3A_92 : memref<100000x128xf32, #tpu.memory_space<hbm>>) target(%dma_start3A_87 : memref<128x128xf32, #tpu.memory_space<vmem>>) offsets(%dma_start3A_89 : memref<128xi32, #tpu.memory_space<vmem>>) semaphore(%arg9 : memref<!tpu.dma_semaphore, #tpu.memory_space<semaphore_mem>>)
    %dma_wait3A_93 = arith.constant 0 : i32
    %dma_wait3A_94 = arith.constant 0 : i32
    %dma_wait3A_95 = tpu.memref_slice %arg6[%dma_wait3A_93, %dma_wait3A_94] : memref<128x128xf32, #tpu.memory_space<vmem>> -> memref<128x128xf32, #tpu.memory_space<vmem>>
    %dma_wait3A_96 = arith.constant 256 : i32
    %dma_wait3A_97 = tpu.memref_slice %arg5[%dma_wait3A_96] : memref<1600xi32, #tpu.memory_space<vmem>> -> memref<128xi32, #tpu.memory_space<vmem>>
    %dma_wait3A_98 = arith.constant 0 : i32
    %dma_wait3A_99 = arith.constant 0 : i32
    %dma_wait3A_100 = tpu.memref_slice %arg2[%dma_wait3A_98, %dma_wait3A_99] : memref<100000x128xf32, #tpu.memory_space<hbm>> -> memref<100000x128xf32, #tpu.memory_space<hbm>>
    tpu.wait_indirect_dma semaphore(%arg8 : memref<!tpu.dma_semaphore, #tpu.memory_space<semaphore_mem>>) src(%dma_wait3A_100 : memref<100000x128xf32, #tpu.memory_space<hbm>>) dst(%dma_wait3A_95 : memref<128x128xf32, #tpu.memory_space<vmem>>)
    %add3A_101 = arith.constant 256 : i32
    %add3A_102 = arith.addi %mul3A_2, %add3A_101 : i32
    %dma_start3A_103 = arith.constant 0 : i32
    %dma_start3A_104 = arith.constant 0 : i32
    %dma_start3A_105 = tpu.memref_slice %arg6[%dma_start3A_103, %dma_start3A_104] : memref<128x128xf32, #tpu.memory_space<vmem>> -> memref<128x128xf32, #tpu.memory_space<vmem>>
    %dma_start3A_106 = arith.constant 0 : i32
    %dma_start3A_107 = tpu.memref_slice %arg4[%add3A_102, %dma_start3A_106] : memref<51200x128xf32, #tpu.memory_space<hbm>> -> memref<128x128xf32, #tpu.memory_space<hbm>>
    %dma_start3A_108 = arith.constant 0 : i32
    %dma_start3A_109 = tpu.memref_slice %arg4[%add3A_102, %dma_start3A_108] : memref<51200x128xf32, #tpu.memory_space<hbm>> -> memref<128x128xf32, #tpu.memory_space<hbm>>
    %dma_start3A_110 = arith.constant 0 : i32
    %dma_start3A_111 = arith.constant 0 : i32
    %dma_start3A_112 = tpu.memref_slice %arg6[%dma_start3A_110, %dma_start3A_111] : memref<128x128xf32, #tpu.memory_space<vmem>> -> memref<128x128xf32, #tpu.memory_space<vmem>>
    tpu.enqueue_dma source(%dma_start3A_112 : memref<128x128xf32, #tpu.memory_space<vmem>>) target(%dma_start3A_109 : memref<128x128xf32, #tpu.memory_space<hbm>>) target_semaphore(%arg10 : memref<!tpu.dma_semaphore, #tpu.memory_space<semaphore_mem>>)
    %dma_wait3A_113 = arith.constant 0 : i32
    %dma_wait3A_114 = arith.constant 0 : i32
    %dma_wait3A_115 = tpu.memref_slice %arg6[%dma_wait3A_113, %dma_wait3A_114] : memref<128x128xf32, #tpu.memory_space<vmem>> -> memref<128x128xf32, #tpu.memory_space<vmem>>
    %dma_wait3A_116 = arith.constant 0 : i32
    %dma_wait3A_117 = tpu.memref_slice %arg4[%add3A_102, %dma_wait3A_116] : memref<51200x128xf32, #tpu.memory_space<hbm>> -> memref<128x128xf32, #tpu.memory_space<hbm>>
    %dma_wait3A_118 = arith.constant 0 : i32
    %dma_wait3A_119 = tpu.memref_slice %arg4[%add3A_102, %dma_wait3A_118] : memref<51200x128xf32, #tpu.memory_space<hbm>> -> memref<128x128xf32, #tpu.memory_space<hbm>>
    %dma_wait3A_120 = arith.constant 0 : i32
    %dma_wait3A_121 = arith.constant 0 : i32
    %dma_wait3A_122 = tpu.memref_slice %arg6[%dma_wait3A_120, %dma_wait3A_121] : memref<128x128xf32, #tpu.memory_space<vmem>> -> memref<128x128xf32, #tpu.memory_space<vmem>>
    tpu.wait_dma2 semaphore(%arg10 : memref<!tpu.dma_semaphore, #tpu.memory_space<semaphore_mem>>) src(%dma_wait3A_122 : memref<128x128xf32, #tpu.memory_space<vmem>>) dst(%dma_wait3A_119 : memref<128x128xf32, #tpu.memory_space<hbm>>)
    %dma_start3A_123 = arith.constant 0 : i32
    %dma_start3A_124 = arith.constant 0 : i32
    %dma_start3A_125 = tpu.memref_slice %arg6[%dma_start3A_123, %dma_start3A_124] : memref<128x128xf32, #tpu.memory_space<vmem>> -> memref<128x128xf32, #tpu.memory_space<vmem>>
    %dma_start3A_126 = arith.constant 512 : i32
    %dma_start3A_127 = tpu.memref_slice %arg5[%dma_start3A_126] : memref<1600xi32, #tpu.memory_space<vmem>> -> memref<128xi32, #tpu.memory_space<vmem>>
    %dma_start3A_128 = arith.constant 0 : i32
    %dma_start3A_129 = arith.constant 0 : i32
    %dma_start3A_130 = tpu.memref_slice %arg2[%dma_start3A_128, %dma_start3A_129] : memref<100000x128xf32, #tpu.memory_space<hbm>> -> memref<100000x128xf32, #tpu.memory_space<hbm>>
    tpu.enqueue_indirect_dma source(%dma_start3A_130 : memref<100000x128xf32, #tpu.memory_space<hbm>>) target(%dma_start3A_125 : memref<128x128xf32, #tpu.memory_space<vmem>>) offsets(%dma_start3A_127 : memref<128xi32, #tpu.memory_space<vmem>>) semaphore(%arg8 : memref<!tpu.dma_semaphore, #tpu.memory_space<semaphore_mem>>)
    %dma_wait3A_131 = arith.constant 0 : i32
    %dma_wait3A_132 = arith.constant 0 : i32
    %dma_wait3A_133 = tpu.memref_slice %arg7[%dma_wait3A_131, %dma_wait3A_132] : memref<128x128xf32, #tpu.memory_space<vmem>> -> memref<128x128xf32, #tpu.memory_space<vmem>>
    %dma_wait3A_134 = arith.constant 384 : i32
    %dma_wait3A_135 = tpu.memref_slice %arg5[%dma_wait3A_134] : memref<1600xi32, #tpu.memory_space<vmem>> -> memref<128xi32, #tpu.memory_space<vmem>>
    %dma_wait3A_136 = arith.constant 0 : i32
    %dma_wait3A_137 = arith.constant 0 : i32
    %dma_wait3A_138 = tpu.memref_slice %arg2[%dma_wait3A_136, %dma_wait3A_137] : memref<100000x128xf32, #tpu.memory_space<hbm>> -> memref<100000x128xf32, #tpu.memory_space<hbm>>
    tpu.wait_indirect_dma semaphore(%arg9 : memref<!tpu.dma_semaphore, #tpu.memory_space<semaphore_mem>>) src(%dma_wait3A_138 : memref<100000x128xf32, #tpu.memory_space<hbm>>) dst(%dma_wait3A_133 : memref<128x128xf32, #tpu.memory_space<vmem>>)
    %add3A_139 = arith.constant 384 : i32
    %add3A_140 = arith.addi %mul3A_2, %add3A_139 : i32
    %dma_start3A_141 = arith.constant 0 : i32
    %dma_start3A_142 = arith.constant 0 : i32
    %dma_start3A_143 = tpu.memref_slice %arg7[%dma_start3A_141, %dma_start3A_142] : memref<128x128xf32, #tpu.memory_space<vmem>> -> memref<128x128xf32, #tpu.memory_space<vmem>>
    %dma_start3A_144 = arith.constant 0 : i32
    %dma_start3A_145 = tpu.memref_slice %arg4[%add3A_140, %dma_start3A_144] : memref<51200x128xf32, #tpu.memory_space<hbm>> -> memref<128x128xf32, #tpu.memory_space<hbm>>
    %dma_start3A_146 = arith.constant 0 : i32
    %dma_start3A_147 = tpu.memref_slice %arg4[%add3A_140, %dma_start3A_146] : memref<51200x128xf32, #tpu.memory_space<hbm>> -> memref<128x128xf32, #tpu.memory_space<hbm>>
    %dma_start3A_148 = arith.constant 0 : i32
    %dma_start3A_149 = arith.constant 0 : i32
    %dma_start3A_150 = tpu.memref_slice %arg7[%dma_start3A_148, %dma_start3A_149] : memref<128x128xf32, #tpu.memory_space<vmem>> -> memref<128x128xf32, #tpu.memory_space<vmem>>
    tpu.enqueue_dma source(%dma_start3A_150 : memref<128x128xf32, #tpu.memory_space<vmem>>) target(%dma_start3A_147 : memref<128x128xf32, #tpu.memory_space<hbm>>) target_semaphore(%arg11 : memref<!tpu.dma_semaphore, #tpu.memory_space<semaphore_mem>>)
    %dma_wait3A_151 = arith.constant 0 : i32
    %dma_wait3A_152 = arith.constant 0 : i32
    %dma_wait3A_153 = tpu.memref_slice %arg7[%dma_wait3A_151, %dma_wait3A_152] : memref<128x128xf32, #tpu.memory_space<vmem>> -> memref<128x128xf32, #tpu.memory_space<vmem>>
    %dma_wait3A_154 = arith.constant 0 : i32
    %dma_wait3A_155 = tpu.memref_slice %arg4[%add3A_140, %dma_wait3A_154] : memref<51200x128xf32, #tpu.memory_space<hbm>> -> memref<128x128xf32, #tpu.memory_space<hbm>>
    %dma_wait3A_156 = arith.constant 0 : i32
    %dma_wait3A_157 = tpu.memref_slice %arg4[%add3A_140, %dma_wait3A_156] : memref<51200x128xf32, #tpu.memory_space<hbm>> -> memref<128x128xf32, #tpu.memory_space<hbm>>
    %dma_wait3A_158 = arith.constant 0 : i32
    %dma_wait3A_159 = arith.constant 0 : i32
    %dma_wait3A_160 = tpu.memref_slice %arg7[%dma_wait3A_158, %dma_wait3A_159] : memref<128x128xf32, #tpu.memory_space<vmem>> -> memref<128x128xf32, #tpu.memory_space<vmem>>
    tpu.wait_dma2 semaphore(%arg11 : memref<!tpu.dma_semaphore, #tpu.memory_space<semaphore_mem>>) src(%dma_wait3A_160 : memref<128x128xf32, #tpu.memory_space<vmem>>) dst(%dma_wait3A_157 : memref<128x128xf32, #tpu.memory_space<hbm>>)
    %dma_start3A_161 = arith.constant 0 : i32
    %dma_start3A_162 = arith.constant 0 : i32
    %dma_start3A_163 = tpu.memref_slice %arg7[%dma_start3A_161, %dma_start3A_162] : memref<128x128xf32, #tpu.memory_space<vmem>> -> memref<128x128xf32, #tpu.memory_space<vmem>>
    %dma_start3A_164 = arith.constant 640 : i32
    %dma_start3A_165 = tpu.memref_slice %arg5[%dma_start3A_164] : memref<1600xi32, #tpu.memory_space<vmem>> -> memref<128xi32, #tpu.memory_space<vmem>>
    %dma_start3A_166 = arith.constant 0 : i32
    %dma_start3A_167 = arith.constant 0 : i32
    %dma_start3A_168 = tpu.memref_slice %arg2[%dma_start3A_166, %dma_start3A_167] : memref<100000x128xf32, #tpu.memory_space<hbm>> -> memref<100000x128xf32, #tpu.memory_space<hbm>>
    tpu.enqueue_indirect_dma source(%dma_start3A_168 : memref<100000x128xf32, #tpu.memory_space<hbm>>) target(%dma_start3A_163 : memref<128x128xf32, #tpu.memory_space<vmem>>) offsets(%dma_start3A_165 : memref<128xi32, #tpu.memory_space<vmem>>) semaphore(%arg9 : memref<!tpu.dma_semaphore, #tpu.memory_space<semaphore_mem>>)
    %dma_wait3A_169 = arith.constant 0 : i32
    %dma_wait3A_170 = arith.constant 0 : i32
    %dma_wait3A_171 = tpu.memref_slice %arg6[%dma_wait3A_169, %dma_wait3A_170] : memref<128x128xf32, #tpu.memory_space<vmem>> -> memref<128x128xf32, #tpu.memory_space<vmem>>
    %dma_wait3A_172 = arith.constant 512 : i32
    %dma_wait3A_173 = tpu.memref_slice %arg5[%dma_wait3A_172] : memref<1600xi32, #tpu.memory_space<vmem>> -> memref<128xi32, #tpu.memory_space<vmem>>
    %dma_wait3A_174 = arith.constant 0 : i32
    %dma_wait3A_175 = arith.constant 0 : i32
    %dma_wait3A_176 = tpu.memref_slice %arg2[%dma_wait3A_174, %dma_wait3A_175] : memref<100000x128xf32, #tpu.memory_space<hbm>> -> memref<100000x128xf32, #tpu.memory_space<hbm>>
    tpu.wait_indirect_dma semaphore(%arg8 : memref<!tpu.dma_semaphore, #tpu.memory_space<semaphore_mem>>) src(%dma_wait3A_176 : memref<100000x128xf32, #tpu.memory_space<hbm>>) dst(%dma_wait3A_171 : memref<128x128xf32, #tpu.memory_space<vmem>>)
    %add3A_177 = arith.constant 512 : i32
    %add3A_178 = arith.addi %mul3A_2, %add3A_177 : i32
    %dma_start3A_179 = arith.constant 0 : i32
    %dma_start3A_180 = arith.constant 0 : i32
    %dma_start3A_181 = tpu.memref_slice %arg6[%dma_start3A_179, %dma_start3A_180] : memref<128x128xf32, #tpu.memory_space<vmem>> -> memref<128x128xf32, #tpu.memory_space<vmem>>
    %dma_start3A_182 = arith.constant 0 : i32
    %dma_start3A_183 = tpu.memref_slice %arg4[%add3A_178, %dma_start3A_182] : memref<51200x128xf32, #tpu.memory_space<hbm>> -> memref<128x128xf32, #tpu.memory_space<hbm>>
    %dma_start3A_184 = arith.constant 0 : i32
    %dma_start3A_185 = tpu.memref_slice %arg4[%add3A_178, %dma_start3A_184] : memref<51200x128xf32, #tpu.memory_space<hbm>> -> memref<128x128xf32, #tpu.memory_space<hbm>>
    %dma_start3A_186 = arith.constant 0 : i32
    %dma_start3A_187 = arith.constant 0 : i32
    %dma_start3A_188 = tpu.memref_slice %arg6[%dma_start3A_186, %dma_start3A_187] : memref<128x128xf32, #tpu.memory_space<vmem>> -> memref<128x128xf32, #tpu.memory_space<vmem>>
    tpu.enqueue_dma source(%dma_start3A_188 : memref<128x128xf32, #tpu.memory_space<vmem>>) target(%dma_start3A_185 : memref<128x128xf32, #tpu.memory_space<hbm>>) target_semaphore(%arg10 : memref<!tpu.dma_semaphore, #tpu.memory_space<semaphore_mem>>)
    %dma_wait3A_189 = arith.constant 0 : i32
    %dma_wait3A_190 = arith.constant 0 : i32
    %dma_wait3A_191 = tpu.memref_slice %arg6[%dma_wait3A_189, %dma_wait3A_190] : memref<128x128xf32, #tpu.memory_space<vmem>> -> memref<128x128xf32, #tpu.memory_space<vmem>>
    %dma_wait3A_192 = arith.constant 0 : i32
    %dma_wait3A_193 = tpu.memref_slice %arg4[%add3A_178, %dma_wait3A_192] : memref<51200x128xf32, #tpu.memory_space<hbm>> -> memref<128x128xf32, #tpu.memory_space<hbm>>
    %dma_wait3A_194 = arith.constant 0 : i32
    %dma_wait3A_195 = tpu.memref_slice %arg4[%add3A_178, %dma_wait3A_194] : memref<51200x128xf32, #tpu.memory_space<hbm>> -> memref<128x128xf32, #tpu.memory_space<hbm>>
    %dma_wait3A_196 = arith.constant 0 : i32
    %dma_wait3A_197 = arith.constant 0 : i32
    %dma_wait3A_198 = tpu.memref_slice %arg6[%dma_wait3A_196, %dma_wait3A_197] : memref<128x128xf32, #tpu.memory_space<vmem>> -> memref<128x128xf32, #tpu.memory_space<vmem>>
    tpu.wait_dma2 semaphore(%arg10 : memref<!tpu.dma_semaphore, #tpu.memory_space<semaphore_mem>>) src(%dma_wait3A_198 : memref<128x128xf32, #tpu.memory_space<vmem>>) dst(%dma_wait3A_195 : memref<128x128xf32, #tpu.memory_space<hbm>>)
    %dma_start3A_199 = arith.constant 0 : i32
    %dma_start3A_200 = arith.constant 0 : i32
    %dma_start3A_201 = tpu.memref_slice %arg6[%dma_start3A_199, %dma_start3A_200] : memref<128x128xf32, #tpu.memory_space<vmem>> -> memref<128x128xf32, #tpu.memory_space<vmem>>
    %dma_start3A_202 = arith.constant 768 : i32
    %dma_start3A_203 = tpu.memref_slice %arg5[%dma_start3A_202] : memref<1600xi32, #tpu.memory_space<vmem>> -> memref<128xi32, #tpu.memory_space<vmem>>
    %dma_start3A_204 = arith.constant 0 : i32
    %dma_start3A_205 = arith.constant 0 : i32
    %dma_start3A_206 = tpu.memref_slice %arg2[%dma_start3A_204, %dma_start3A_205] : memref<100000x128xf32, #tpu.memory_space<hbm>> -> memref<100000x128xf32, #tpu.memory_space<hbm>>
    tpu.enqueue_indirect_dma source(%dma_start3A_206 : memref<100000x128xf32, #tpu.memory_space<hbm>>) target(%dma_start3A_201 : memref<128x128xf32, #tpu.memory_space<vmem>>) offsets(%dma_start3A_203 : memref<128xi32, #tpu.memory_space<vmem>>) semaphore(%arg8 : memref<!tpu.dma_semaphore, #tpu.memory_space<semaphore_mem>>)
    %dma_wait3A_207 = arith.constant 0 : i32
    %dma_wait3A_208 = arith.constant 0 : i32
    %dma_wait3A_209 = tpu.memref_slice %arg7[%dma_wait3A_207, %dma_wait3A_208] : memref<128x128xf32, #tpu.memory_space<vmem>> -> memref<128x128xf32, #tpu.memory_space<vmem>>
    %dma_wait3A_210 = arith.constant 640 : i32
    %dma_wait3A_211 = tpu.memref_slice %arg5[%dma_wait3A_210] : memref<1600xi32, #tpu.memory_space<vmem>> -> memref<128xi32, #tpu.memory_space<vmem>>
    %dma_wait3A_212 = arith.constant 0 : i32
    %dma_wait3A_213 = arith.constant 0 : i32
    %dma_wait3A_214 = tpu.memref_slice %arg2[%dma_wait3A_212, %dma_wait3A_213] : memref<100000x128xf32, #tpu.memory_space<hbm>> -> memref<100000x128xf32, #tpu.memory_space<hbm>>
    tpu.wait_indirect_dma semaphore(%arg9 : memref<!tpu.dma_semaphore, #tpu.memory_space<semaphore_mem>>) src(%dma_wait3A_214 : memref<100000x128xf32, #tpu.memory_space<hbm>>) dst(%dma_wait3A_209 : memref<128x128xf32, #tpu.memory_space<vmem>>)
    %add3A_215 = arith.constant 640 : i32
    %add3A_216 = arith.addi %mul3A_2, %add3A_215 : i32
    %dma_start3A_217 = arith.constant 0 : i32
    %dma_start3A_218 = arith.constant 0 : i32
    %dma_start3A_219 = tpu.memref_slice %arg7[%dma_start3A_217, %dma_start3A_218] : memref<128x128xf32, #tpu.memory_space<vmem>> -> memref<128x128xf32, #tpu.memory_space<vmem>>
    %dma_start3A_220 = arith.constant 0 : i32
    %dma_start3A_221 = tpu.memref_slice %arg4[%add3A_216, %dma_start3A_220] : memref<51200x128xf32, #tpu.memory_space<hbm>> -> memref<128x128xf32, #tpu.memory_space<hbm>>
    %dma_start3A_222 = arith.constant 0 : i32
    %dma_start3A_223 = tpu.memref_slice %arg4[%add3A_216, %dma_start3A_222] : memref<51200x128xf32, #tpu.memory_space<hbm>> -> memref<128x128xf32, #tpu.memory_space<hbm>>
    %dma_start3A_224 = arith.constant 0 : i32
    %dma_start3A_225 = arith.constant 0 : i32
    %dma_start3A_226 = tpu.memref_slice %arg7[%dma_start3A_224, %dma_start3A_225] : memref<128x128xf32, #tpu.memory_space<vmem>> -> memref<128x128xf32, #tpu.memory_space<vmem>>
    tpu.enqueue_dma source(%dma_start3A_226 : memref<128x128xf32, #tpu.memory_space<vmem>>) target(%dma_start3A_223 : memref<128x128xf32, #tpu.memory_space<hbm>>) target_semaphore(%arg11 : memref<!tpu.dma_semaphore, #tpu.memory_space<semaphore_mem>>)
    %dma_wait3A_227 = arith.constant 0 : i32
    %dma_wait3A_228 = arith.constant 0 : i32
    %dma_wait3A_229 = tpu.memref_slice %arg7[%dma_wait3A_227, %dma_wait3A_228] : memref<128x128xf32, #tpu.memory_space<vmem>> -> memref<128x128xf32, #tpu.memory_space<vmem>>
    %dma_wait3A_230 = arith.constant 0 : i32
    %dma_wait3A_231 = tpu.memref_slice %arg4[%add3A_216, %dma_wait3A_230] : memref<51200x128xf32, #tpu.memory_space<hbm>> -> memref<128x128xf32, #tpu.memory_space<hbm>>
    %dma_wait3A_232 = arith.constant 0 : i32
    %dma_wait3A_233 = tpu.memref_slice %arg4[%add3A_216, %dma_wait3A_232] : memref<51200x128xf32, #tpu.memory_space<hbm>> -> memref<128x128xf32, #tpu.memory_space<hbm>>
    %dma_wait3A_234 = arith.constant 0 : i32
    %dma_wait3A_235 = arith.constant 0 : i32
    %dma_wait3A_236 = tpu.memref_slice %arg7[%dma_wait3A_234, %dma_wait3A_235] : memref<128x128xf32, #tpu.memory_space<vmem>> -> memref<128x128xf32, #tpu.memory_space<vmem>>
    tpu.wait_dma2 semaphore(%arg11 : memref<!tpu.dma_semaphore, #tpu.memory_space<semaphore_mem>>) src(%dma_wait3A_236 : memref<128x128xf32, #tpu.memory_space<vmem>>) dst(%dma_wait3A_233 : memref<128x128xf32, #tpu.memory_space<hbm>>)
    %dma_start3A_237 = arith.constant 0 : i32
    %dma_start3A_238 = arith.constant 0 : i32
    %dma_start3A_239 = tpu.memref_slice %arg7[%dma_start3A_237, %dma_start3A_238] : memref<128x128xf32, #tpu.memory_space<vmem>> -> memref<128x128xf32, #tpu.memory_space<vmem>>
    %dma_start3A_240 = arith.constant 896 : i32
    %dma_start3A_241 = tpu.memref_slice %arg5[%dma_start3A_240] : memref<1600xi32, #tpu.memory_space<vmem>> -> memref<128xi32, #tpu.memory_space<vmem>>
    %dma_start3A_242 = arith.constant 0 : i32
    %dma_start3A_243 = arith.constant 0 : i32
    %dma_start3A_244 = tpu.memref_slice %arg2[%dma_start3A_242, %dma_start3A_243] : memref<100000x128xf32, #tpu.memory_space<hbm>> -> memref<100000x128xf32, #tpu.memory_space<hbm>>
    tpu.enqueue_indirect_dma source(%dma_start3A_244 : memref<100000x128xf32, #tpu.memory_space<hbm>>) target(%dma_start3A_239 : memref<128x128xf32, #tpu.memory_space<vmem>>) offsets(%dma_start3A_241 : memref<128xi32, #tpu.memory_space<vmem>>) semaphore(%arg9 : memref<!tpu.dma_semaphore, #tpu.memory_space<semaphore_mem>>)
    %dma_wait3A_245 = arith.constant 0 : i32
    %dma_wait3A_246 = arith.constant 0 : i32
    %dma_wait3A_247 = tpu.memref_slice %arg6[%dma_wait3A_245, %dma_wait3A_246] : memref<128x128xf32, #tpu.memory_space<vmem>> -> memref<128x128xf32, #tpu.memory_space<vmem>>
    %dma_wait3A_248 = arith.constant 768 : i32
    %dma_wait3A_249 = tpu.memref_slice %arg5[%dma_wait3A_248] : memref<1600xi32, #tpu.memory_space<vmem>> -> memref<128xi32, #tpu.memory_space<vmem>>
    %dma_wait3A_250 = arith.constant 0 : i32
    %dma_wait3A_251 = arith.constant 0 : i32
    %dma_wait3A_252 = tpu.memref_slice %arg2[%dma_wait3A_250, %dma_wait3A_251] : memref<100000x128xf32, #tpu.memory_space<hbm>> -> memref<100000x128xf32, #tpu.memory_space<hbm>>
    tpu.wait_indirect_dma semaphore(%arg8 : memref<!tpu.dma_semaphore, #tpu.memory_space<semaphore_mem>>) src(%dma_wait3A_252 : memref<100000x128xf32, #tpu.memory_space<hbm>>) dst(%dma_wait3A_247 : memref<128x128xf32, #tpu.memory_space<vmem>>)
    %add3A_253 = arith.constant 768 : i32
    %add3A_254 = arith.addi %mul3A_2, %add3A_253 : i32
    %dma_start3A_255 = arith.constant 0 : i32
    %dma_start3A_256 = arith.constant 0 : i32
    %dma_start3A_257 = tpu.memref_slice %arg6[%dma_start3A_255, %dma_start3A_256] : memref<128x128xf32, #tpu.memory_space<vmem>> -> memref<128x128xf32, #tpu.memory_space<vmem>>
    %dma_start3A_258 = arith.constant 0 : i32
    %dma_start3A_259 = tpu.memref_slice %arg4[%add3A_254, %dma_start3A_258] : memref<51200x128xf32, #tpu.memory_space<hbm>> -> memref<128x128xf32, #tpu.memory_space<hbm>>
    %dma_start3A_260 = arith.constant 0 : i32
    %dma_start3A_261 = tpu.memref_slice %arg4[%add3A_254, %dma_start3A_260] : memref<51200x128xf32, #tpu.memory_space<hbm>> -> memref<128x128xf32, #tpu.memory_space<hbm>>
    %dma_start3A_262 = arith.constant 0 : i32
    %dma_start3A_263 = arith.constant 0 : i32
    %dma_start3A_264 = tpu.memref_slice %arg6[%dma_start3A_262, %dma_start3A_263] : memref<128x128xf32, #tpu.memory_space<vmem>> -> memref<128x128xf32, #tpu.memory_space<vmem>>
    tpu.enqueue_dma source(%dma_start3A_264 : memref<128x128xf32, #tpu.memory_space<vmem>>) target(%dma_start3A_261 : memref<128x128xf32, #tpu.memory_space<hbm>>) target_semaphore(%arg10 : memref<!tpu.dma_semaphore, #tpu.memory_space<semaphore_mem>>)
    %dma_wait3A_265 = arith.constant 0 : i32
    %dma_wait3A_266 = arith.constant 0 : i32
    %dma_wait3A_267 = tpu.memref_slice %arg6[%dma_wait3A_265, %dma_wait3A_266] : memref<128x128xf32, #tpu.memory_space<vmem>> -> memref<128x128xf32, #tpu.memory_space<vmem>>
    %dma_wait3A_268 = arith.constant 0 : i32
    %dma_wait3A_269 = tpu.memref_slice %arg4[%add3A_254, %dma_wait3A_268] : memref<51200x128xf32, #tpu.memory_space<hbm>> -> memref<128x128xf32, #tpu.memory_space<hbm>>
    %dma_wait3A_270 = arith.constant 0 : i32
    %dma_wait3A_271 = tpu.memref_slice %arg4[%add3A_254, %dma_wait3A_270] : memref<51200x128xf32, #tpu.memory_space<hbm>> -> memref<128x128xf32, #tpu.memory_space<hbm>>
    %dma_wait3A_272 = arith.constant 0 : i32
    %dma_wait3A_273 = arith.constant 0 : i32
    %dma_wait3A_274 = tpu.memref_slice %arg6[%dma_wait3A_272, %dma_wait3A_273] : memref<128x128xf32, #tpu.memory_space<vmem>> -> memref<128x128xf32, #tpu.memory_space<vmem>>
    tpu.wait_dma2 semaphore(%arg10 : memref<!tpu.dma_semaphore, #tpu.memory_space<semaphore_mem>>) src(%dma_wait3A_274 : memref<128x128xf32, #tpu.memory_space<vmem>>) dst(%dma_wait3A_271 : memref<128x128xf32, #tpu.memory_space<hbm>>)
    %dma_start3A_275 = arith.constant 0 : i32
    %dma_start3A_276 = arith.constant 0 : i32
    %dma_start3A_277 = tpu.memref_slice %arg6[%dma_start3A_275, %dma_start3A_276] : memref<128x128xf32, #tpu.memory_space<vmem>> -> memref<128x128xf32, #tpu.memory_space<vmem>>
    %dma_start3A_278 = arith.constant 1024 : i32
    %dma_start3A_279 = tpu.memref_slice %arg5[%dma_start3A_278] : memref<1600xi32, #tpu.memory_space<vmem>> -> memref<128xi32, #tpu.memory_space<vmem>>
    %dma_start3A_280 = arith.constant 0 : i32
    %dma_start3A_281 = arith.constant 0 : i32
    %dma_start3A_282 = tpu.memref_slice %arg2[%dma_start3A_280, %dma_start3A_281] : memref<100000x128xf32, #tpu.memory_space<hbm>> -> memref<100000x128xf32, #tpu.memory_space<hbm>>
    tpu.enqueue_indirect_dma source(%dma_start3A_282 : memref<100000x128xf32, #tpu.memory_space<hbm>>) target(%dma_start3A_277 : memref<128x128xf32, #tpu.memory_space<vmem>>) offsets(%dma_start3A_279 : memref<128xi32, #tpu.memory_space<vmem>>) semaphore(%arg8 : memref<!tpu.dma_semaphore, #tpu.memory_space<semaphore_mem>>)
    %dma_wait3A_283 = arith.constant 0 : i32
    %dma_wait3A_284 = arith.constant 0 : i32
    %dma_wait3A_285 = tpu.memref_slice %arg7[%dma_wait3A_283, %dma_wait3A_284] : memref<128x128xf32, #tpu.memory_space<vmem>> -> memref<128x128xf32, #tpu.memory_space<vmem>>
    %dma_wait3A_286 = arith.constant 896 : i32
    %dma_wait3A_287 = tpu.memref_slice %arg5[%dma_wait3A_286] : memref<1600xi32, #tpu.memory_space<vmem>> -> memref<128xi32, #tpu.memory_space<vmem>>
    %dma_wait3A_288 = arith.constant 0 : i32
    %dma_wait3A_289 = arith.constant 0 : i32
    %dma_wait3A_290 = tpu.memref_slice %arg2[%dma_wait3A_288, %dma_wait3A_289] : memref<100000x128xf32, #tpu.memory_space<hbm>> -> memref<100000x128xf32, #tpu.memory_space<hbm>>
    tpu.wait_indirect_dma semaphore(%arg9 : memref<!tpu.dma_semaphore, #tpu.memory_space<semaphore_mem>>) src(%dma_wait3A_290 : memref<100000x128xf32, #tpu.memory_space<hbm>>) dst(%dma_wait3A_285 : memref<128x128xf32, #tpu.memory_space<vmem>>)
    %add3A_291 = arith.constant 896 : i32
    %add3A_292 = arith.addi %mul3A_2, %add3A_291 : i32
    %dma_start3A_293 = arith.constant 0 : i32
    %dma_start3A_294 = arith.constant 0 : i32
    %dma_start3A_295 = tpu.memref_slice %arg7[%dma_start3A_293, %dma_start3A_294] : memref<128x128xf32, #tpu.memory_space<vmem>> -> memref<128x128xf32, #tpu.memory_space<vmem>>
    %dma_start3A_296 = arith.constant 0 : i32
    %dma_start3A_297 = tpu.memref_slice %arg4[%add3A_292, %dma_start3A_296] : memref<51200x128xf32, #tpu.memory_space<hbm>> -> memref<128x128xf32, #tpu.memory_space<hbm>>
    %dma_start3A_298 = arith.constant 0 : i32
    %dma_start3A_299 = tpu.memref_slice %arg4[%add3A_292, %dma_start3A_298] : memref<51200x128xf32, #tpu.memory_space<hbm>> -> memref<128x128xf32, #tpu.memory_space<hbm>>
    %dma_start3A_300 = arith.constant 0 : i32
    %dma_start3A_301 = arith.constant 0 : i32
    %dma_start3A_302 = tpu.memref_slice %arg7[%dma_start3A_300, %dma_start3A_301] : memref<128x128xf32, #tpu.memory_space<vmem>> -> memref<128x128xf32, #tpu.memory_space<vmem>>
    tpu.enqueue_dma source(%dma_start3A_302 : memref<128x128xf32, #tpu.memory_space<vmem>>) target(%dma_start3A_299 : memref<128x128xf32, #tpu.memory_space<hbm>>) target_semaphore(%arg11 : memref<!tpu.dma_semaphore, #tpu.memory_space<semaphore_mem>>)
    %dma_wait3A_303 = arith.constant 0 : i32
    %dma_wait3A_304 = arith.constant 0 : i32
    %dma_wait3A_305 = tpu.memref_slice %arg7[%dma_wait3A_303, %dma_wait3A_304] : memref<128x128xf32, #tpu.memory_space<vmem>> -> memref<128x128xf32, #tpu.memory_space<vmem>>
    %dma_wait3A_306 = arith.constant 0 : i32
    %dma_wait3A_307 = tpu.memref_slice %arg4[%add3A_292, %dma_wait3A_306] : memref<51200x128xf32, #tpu.memory_space<hbm>> -> memref<128x128xf32, #tpu.memory_space<hbm>>
    %dma_wait3A_308 = arith.constant 0 : i32
    %dma_wait3A_309 = tpu.memref_slice %arg4[%add3A_292, %dma_wait3A_308] : memref<51200x128xf32, #tpu.memory_space<hbm>> -> memref<128x128xf32, #tpu.memory_space<hbm>>
    %dma_wait3A_310 = arith.constant 0 : i32
    %dma_wait3A_311 = arith.constant 0 : i32
    %dma_wait3A_312 = tpu.memref_slice %arg7[%dma_wait3A_310, %dma_wait3A_311] : memref<128x128xf32, #tpu.memory_space<vmem>> -> memref<128x128xf32, #tpu.memory_space<vmem>>
    tpu.wait_dma2 semaphore(%arg11 : memref<!tpu.dma_semaphore, #tpu.memory_space<semaphore_mem>>) src(%dma_wait3A_312 : memref<128x128xf32, #tpu.memory_space<vmem>>) dst(%dma_wait3A_309 : memref<128x128xf32, #tpu.memory_space<hbm>>)
    %dma_start3A_313 = arith.constant 0 : i32
    %dma_start3A_314 = arith.constant 0 : i32
    %dma_start3A_315 = tpu.memref_slice %arg7[%dma_start3A_313, %dma_start3A_314] : memref<128x128xf32, #tpu.memory_space<vmem>> -> memref<128x128xf32, #tpu.memory_space<vmem>>
    %dma_start3A_316 = arith.constant 1152 : i32
    %dma_start3A_317 = tpu.memref_slice %arg5[%dma_start3A_316] : memref<1600xi32, #tpu.memory_space<vmem>> -> memref<128xi32, #tpu.memory_space<vmem>>
    %dma_start3A_318 = arith.constant 0 : i32
    %dma_start3A_319 = arith.constant 0 : i32
    %dma_start3A_320 = tpu.memref_slice %arg2[%dma_start3A_318, %dma_start3A_319] : memref<100000x128xf32, #tpu.memory_space<hbm>> -> memref<100000x128xf32, #tpu.memory_space<hbm>>
    tpu.enqueue_indirect_dma source(%dma_start3A_320 : memref<100000x128xf32, #tpu.memory_space<hbm>>) target(%dma_start3A_315 : memref<128x128xf32, #tpu.memory_space<vmem>>) offsets(%dma_start3A_317 : memref<128xi32, #tpu.memory_space<vmem>>) semaphore(%arg9 : memref<!tpu.dma_semaphore, #tpu.memory_space<semaphore_mem>>)
    %dma_wait3A_321 = arith.constant 0 : i32
    %dma_wait3A_322 = arith.constant 0 : i32
    %dma_wait3A_323 = tpu.memref_slice %arg6[%dma_wait3A_321, %dma_wait3A_322] : memref<128x128xf32, #tpu.memory_space<vmem>> -> memref<128x128xf32, #tpu.memory_space<vmem>>
    %dma_wait3A_324 = arith.constant 1024 : i32
    %dma_wait3A_325 = tpu.memref_slice %arg5[%dma_wait3A_324] : memref<1600xi32, #tpu.memory_space<vmem>> -> memref<128xi32, #tpu.memory_space<vmem>>
    %dma_wait3A_326 = arith.constant 0 : i32
    %dma_wait3A_327 = arith.constant 0 : i32
    %dma_wait3A_328 = tpu.memref_slice %arg2[%dma_wait3A_326, %dma_wait3A_327] : memref<100000x128xf32, #tpu.memory_space<hbm>> -> memref<100000x128xf32, #tpu.memory_space<hbm>>
    tpu.wait_indirect_dma semaphore(%arg8 : memref<!tpu.dma_semaphore, #tpu.memory_space<semaphore_mem>>) src(%dma_wait3A_328 : memref<100000x128xf32, #tpu.memory_space<hbm>>) dst(%dma_wait3A_323 : memref<128x128xf32, #tpu.memory_space<vmem>>)
    %add3A_329 = arith.constant 1024 : i32
    %add3A_330 = arith.addi %mul3A_2, %add3A_329 : i32
    %dma_start3A_331 = arith.constant 0 : i32
    %dma_start3A_332 = arith.constant 0 : i32
    %dma_start3A_333 = tpu.memref_slice %arg6[%dma_start3A_331, %dma_start3A_332] : memref<128x128xf32, #tpu.memory_space<vmem>> -> memref<128x128xf32, #tpu.memory_space<vmem>>
    %dma_start3A_334 = arith.constant 0 : i32
    %dma_start3A_335 = tpu.memref_slice %arg4[%add3A_330, %dma_start3A_334] : memref<51200x128xf32, #tpu.memory_space<hbm>> -> memref<128x128xf32, #tpu.memory_space<hbm>>
    %dma_start3A_336 = arith.constant 0 : i32
    %dma_start3A_337 = tpu.memref_slice %arg4[%add3A_330, %dma_start3A_336] : memref<51200x128xf32, #tpu.memory_space<hbm>> -> memref<128x128xf32, #tpu.memory_space<hbm>>
    %dma_start3A_338 = arith.constant 0 : i32
    %dma_start3A_339 = arith.constant 0 : i32
    %dma_start3A_340 = tpu.memref_slice %arg6[%dma_start3A_338, %dma_start3A_339] : memref<128x128xf32, #tpu.memory_space<vmem>> -> memref<128x128xf32, #tpu.memory_space<vmem>>
    tpu.enqueue_dma source(%dma_start3A_340 : memref<128x128xf32, #tpu.memory_space<vmem>>) target(%dma_start3A_337 : memref<128x128xf32, #tpu.memory_space<hbm>>) target_semaphore(%arg10 : memref<!tpu.dma_semaphore, #tpu.memory_space<semaphore_mem>>)
    %dma_wait3A_341 = arith.constant 0 : i32
    %dma_wait3A_342 = arith.constant 0 : i32
    %dma_wait3A_343 = tpu.memref_slice %arg6[%dma_wait3A_341, %dma_wait3A_342] : memref<128x128xf32, #tpu.memory_space<vmem>> -> memref<128x128xf32, #tpu.memory_space<vmem>>
    %dma_wait3A_344 = arith.constant 0 : i32
    %dma_wait3A_345 = tpu.memref_slice %arg4[%add3A_330, %dma_wait3A_344] : memref<51200x128xf32, #tpu.memory_space<hbm>> -> memref<128x128xf32, #tpu.memory_space<hbm>>
    %dma_wait3A_346 = arith.constant 0 : i32
    %dma_wait3A_347 = tpu.memref_slice %arg4[%add3A_330, %dma_wait3A_346] : memref<51200x128xf32, #tpu.memory_space<hbm>> -> memref<128x128xf32, #tpu.memory_space<hbm>>
    %dma_wait3A_348 = arith.constant 0 : i32
    %dma_wait3A_349 = arith.constant 0 : i32
    %dma_wait3A_350 = tpu.memref_slice %arg6[%dma_wait3A_348, %dma_wait3A_349] : memref<128x128xf32, #tpu.memory_space<vmem>> -> memref<128x128xf32, #tpu.memory_space<vmem>>
    tpu.wait_dma2 semaphore(%arg10 : memref<!tpu.dma_semaphore, #tpu.memory_space<semaphore_mem>>) src(%dma_wait3A_350 : memref<128x128xf32, #tpu.memory_space<vmem>>) dst(%dma_wait3A_347 : memref<128x128xf32, #tpu.memory_space<hbm>>)
    %dma_start3A_351 = arith.constant 0 : i32
    %dma_start3A_352 = arith.constant 0 : i32
    %dma_start3A_353 = tpu.memref_slice %arg6[%dma_start3A_351, %dma_start3A_352] : memref<128x128xf32, #tpu.memory_space<vmem>> -> memref<128x128xf32, #tpu.memory_space<vmem>>
    %dma_start3A_354 = arith.constant 1280 : i32
    %dma_start3A_355 = tpu.memref_slice %arg5[%dma_start3A_354] : memref<1600xi32, #tpu.memory_space<vmem>> -> memref<128xi32, #tpu.memory_space<vmem>>
    %dma_start3A_356 = arith.constant 0 : i32
    %dma_start3A_357 = arith.constant 0 : i32
    %dma_start3A_358 = tpu.memref_slice %arg2[%dma_start3A_356, %dma_start3A_357] : memref<100000x128xf32, #tpu.memory_space<hbm>> -> memref<100000x128xf32, #tpu.memory_space<hbm>>
    tpu.enqueue_indirect_dma source(%dma_start3A_358 : memref<100000x128xf32, #tpu.memory_space<hbm>>) target(%dma_start3A_353 : memref<128x128xf32, #tpu.memory_space<vmem>>) offsets(%dma_start3A_355 : memref<128xi32, #tpu.memory_space<vmem>>) semaphore(%arg8 : memref<!tpu.dma_semaphore, #tpu.memory_space<semaphore_mem>>)
    %dma_wait3A_359 = arith.constant 0 : i32
    %dma_wait3A_360 = arith.constant 0 : i32
    %dma_wait3A_361 = tpu.memref_slice %arg7[%dma_wait3A_359, %dma_wait3A_360] : memref<128x128xf32, #tpu.memory_space<vmem>> -> memref<128x128xf32, #tpu.memory_space<vmem>>
    %dma_wait3A_362 = arith.constant 1152 : i32
    %dma_wait3A_363 = tpu.memref_slice %arg5[%dma_wait3A_362] : memref<1600xi32, #tpu.memory_space<vmem>> -> memref<128xi32, #tpu.memory_space<vmem>>
    %dma_wait3A_364 = arith.constant 0 : i32
    %dma_wait3A_365 = arith.constant 0 : i32
    %dma_wait3A_366 = tpu.memref_slice %arg2[%dma_wait3A_364, %dma_wait3A_365] : memref<100000x128xf32, #tpu.memory_space<hbm>> -> memref<100000x128xf32, #tpu.memory_space<hbm>>
    tpu.wait_indirect_dma semaphore(%arg9 : memref<!tpu.dma_semaphore, #tpu.memory_space<semaphore_mem>>) src(%dma_wait3A_366 : memref<100000x128xf32, #tpu.memory_space<hbm>>) dst(%dma_wait3A_361 : memref<128x128xf32, #tpu.memory_space<vmem>>)
    %add3A_367 = arith.constant 1152 : i32
    %add3A_368 = arith.addi %mul3A_2, %add3A_367 : i32
    %dma_start3A_369 = arith.constant 0 : i32
    %dma_start3A_370 = arith.constant 0 : i32
    %dma_start3A_371 = tpu.memref_slice %arg7[%dma_start3A_369, %dma_start3A_370] : memref<128x128xf32, #tpu.memory_space<vmem>> -> memref<128x128xf32, #tpu.memory_space<vmem>>
    %dma_start3A_372 = arith.constant 0 : i32
    %dma_start3A_373 = tpu.memref_slice %arg4[%add3A_368, %dma_start3A_372] : memref<51200x128xf32, #tpu.memory_space<hbm>> -> memref<128x128xf32, #tpu.memory_space<hbm>>
    %dma_start3A_374 = arith.constant 0 : i32
    %dma_start3A_375 = tpu.memref_slice %arg4[%add3A_368, %dma_start3A_374] : memref<51200x128xf32, #tpu.memory_space<hbm>> -> memref<128x128xf32, #tpu.memory_space<hbm>>
    %dma_start3A_376 = arith.constant 0 : i32
    %dma_start3A_377 = arith.constant 0 : i32
    %dma_start3A_378 = tpu.memref_slice %arg7[%dma_start3A_376, %dma_start3A_377] : memref<128x128xf32, #tpu.memory_space<vmem>> -> memref<128x128xf32, #tpu.memory_space<vmem>>
    tpu.enqueue_dma source(%dma_start3A_378 : memref<128x128xf32, #tpu.memory_space<vmem>>) target(%dma_start3A_375 : memref<128x128xf32, #tpu.memory_space<hbm>>) target_semaphore(%arg11 : memref<!tpu.dma_semaphore, #tpu.memory_space<semaphore_mem>>)
    %dma_wait3A_379 = arith.constant 0 : i32
    %dma_wait3A_380 = arith.constant 0 : i32
    %dma_wait3A_381 = tpu.memref_slice %arg7[%dma_wait3A_379, %dma_wait3A_380] : memref<128x128xf32, #tpu.memory_space<vmem>> -> memref<128x128xf32, #tpu.memory_space<vmem>>
    %dma_wait3A_382 = arith.constant 0 : i32
    %dma_wait3A_383 = tpu.memref_slice %arg4[%add3A_368, %dma_wait3A_382] : memref<51200x128xf32, #tpu.memory_space<hbm>> -> memref<128x128xf32, #tpu.memory_space<hbm>>
    %dma_wait3A_384 = arith.constant 0 : i32
    %dma_wait3A_385 = tpu.memref_slice %arg4[%add3A_368, %dma_wait3A_384] : memref<51200x128xf32, #tpu.memory_space<hbm>> -> memref<128x128xf32, #tpu.memory_space<hbm>>
    %dma_wait3A_386 = arith.constant 0 : i32
    %dma_wait3A_387 = arith.constant 0 : i32
    %dma_wait3A_388 = tpu.memref_slice %arg7[%dma_wait3A_386, %dma_wait3A_387] : memref<128x128xf32, #tpu.memory_space<vmem>> -> memref<128x128xf32, #tpu.memory_space<vmem>>
    tpu.wait_dma2 semaphore(%arg11 : memref<!tpu.dma_semaphore, #tpu.memory_space<semaphore_mem>>) src(%dma_wait3A_388 : memref<128x128xf32, #tpu.memory_space<vmem>>) dst(%dma_wait3A_385 : memref<128x128xf32, #tpu.memory_space<hbm>>)
    %dma_start3A_389 = arith.constant 0 : i32
    %dma_start3A_390 = arith.constant 0 : i32
    %dma_start3A_391 = tpu.memref_slice %arg7[%dma_start3A_389, %dma_start3A_390] : memref<128x128xf32, #tpu.memory_space<vmem>> -> memref<128x128xf32, #tpu.memory_space<vmem>>
    %dma_start3A_392 = arith.constant 1408 : i32
    %dma_start3A_393 = tpu.memref_slice %arg5[%dma_start3A_392] : memref<1600xi32, #tpu.memory_space<vmem>> -> memref<128xi32, #tpu.memory_space<vmem>>
    %dma_start3A_394 = arith.constant 0 : i32
    %dma_start3A_395 = arith.constant 0 : i32
    %dma_start3A_396 = tpu.memref_slice %arg2[%dma_start3A_394, %dma_start3A_395] : memref<100000x128xf32, #tpu.memory_space<hbm>> -> memref<100000x128xf32, #tpu.memory_space<hbm>>
    tpu.enqueue_indirect_dma source(%dma_start3A_396 : memref<100000x128xf32, #tpu.memory_space<hbm>>) target(%dma_start3A_391 : memref<128x128xf32, #tpu.memory_space<vmem>>) offsets(%dma_start3A_393 : memref<128xi32, #tpu.memory_space<vmem>>) semaphore(%arg9 : memref<!tpu.dma_semaphore, #tpu.memory_space<semaphore_mem>>)
    %dma_wait3A_397 = arith.constant 0 : i32
    %dma_wait3A_398 = arith.constant 0 : i32
    %dma_wait3A_399 = tpu.memref_slice %arg6[%dma_wait3A_397, %dma_wait3A_398] : memref<128x128xf32, #tpu.memory_space<vmem>> -> memref<128x128xf32, #tpu.memory_space<vmem>>
    %dma_wait3A_400 = arith.constant 1280 : i32
    %dma_wait3A_401 = tpu.memref_slice %arg5[%dma_wait3A_400] : memref<1600xi32, #tpu.memory_space<vmem>> -> memref<128xi32, #tpu.memory_space<vmem>>
    %dma_wait3A_402 = arith.constant 0 : i32
    %dma_wait3A_403 = arith.constant 0 : i32
    %dma_wait3A_404 = tpu.memref_slice %arg2[%dma_wait3A_402, %dma_wait3A_403] : memref<100000x128xf32, #tpu.memory_space<hbm>> -> memref<100000x128xf32, #tpu.memory_space<hbm>>
    tpu.wait_indirect_dma semaphore(%arg8 : memref<!tpu.dma_semaphore, #tpu.memory_space<semaphore_mem>>) src(%dma_wait3A_404 : memref<100000x128xf32, #tpu.memory_space<hbm>>) dst(%dma_wait3A_399 : memref<128x128xf32, #tpu.memory_space<vmem>>)
    %add3A_405 = arith.constant 1280 : i32
    %add3A_406 = arith.addi %mul3A_2, %add3A_405 : i32
    %dma_start3A_407 = arith.constant 0 : i32
    %dma_start3A_408 = arith.constant 0 : i32
    %dma_start3A_409 = tpu.memref_slice %arg6[%dma_start3A_407, %dma_start3A_408] : memref<128x128xf32, #tpu.memory_space<vmem>> -> memref<128x128xf32, #tpu.memory_space<vmem>>
    %dma_start3A_410 = arith.constant 0 : i32
    %dma_start3A_411 = tpu.memref_slice %arg4[%add3A_406, %dma_start3A_410] : memref<51200x128xf32, #tpu.memory_space<hbm>> -> memref<128x128xf32, #tpu.memory_space<hbm>>
    %dma_start3A_412 = arith.constant 0 : i32
    %dma_start3A_413 = tpu.memref_slice %arg4[%add3A_406, %dma_start3A_412] : memref<51200x128xf32, #tpu.memory_space<hbm>> -> memref<128x128xf32, #tpu.memory_space<hbm>>
    %dma_start3A_414 = arith.constant 0 : i32
    %dma_start3A_415 = arith.constant 0 : i32
    %dma_start3A_416 = tpu.memref_slice %arg6[%dma_start3A_414, %dma_start3A_415] : memref<128x128xf32, #tpu.memory_space<vmem>> -> memref<128x128xf32, #tpu.memory_space<vmem>>
    tpu.enqueue_dma source(%dma_start3A_416 : memref<128x128xf32, #tpu.memory_space<vmem>>) target(%dma_start3A_413 : memref<128x128xf32, #tpu.memory_space<hbm>>) target_semaphore(%arg10 : memref<!tpu.dma_semaphore, #tpu.memory_space<semaphore_mem>>)
    %dma_wait3A_417 = arith.constant 0 : i32
    %dma_wait3A_418 = arith.constant 0 : i32
    %dma_wait3A_419 = tpu.memref_slice %arg6[%dma_wait3A_417, %dma_wait3A_418] : memref<128x128xf32, #tpu.memory_space<vmem>> -> memref<128x128xf32, #tpu.memory_space<vmem>>
    %dma_wait3A_420 = arith.constant 0 : i32
    %dma_wait3A_421 = tpu.memref_slice %arg4[%add3A_406, %dma_wait3A_420] : memref<51200x128xf32, #tpu.memory_space<hbm>> -> memref<128x128xf32, #tpu.memory_space<hbm>>
    %dma_wait3A_422 = arith.constant 0 : i32
    %dma_wait3A_423 = tpu.memref_slice %arg4[%add3A_406, %dma_wait3A_422] : memref<51200x128xf32, #tpu.memory_space<hbm>> -> memref<128x128xf32, #tpu.memory_space<hbm>>
    %dma_wait3A_424 = arith.constant 0 : i32
    %dma_wait3A_425 = arith.constant 0 : i32
    %dma_wait3A_426 = tpu.memref_slice %arg6[%dma_wait3A_424, %dma_wait3A_425] : memref<128x128xf32, #tpu.memory_space<vmem>> -> memref<128x128xf32, #tpu.memory_space<vmem>>
    tpu.wait_dma2 semaphore(%arg10 : memref<!tpu.dma_semaphore, #tpu.memory_space<semaphore_mem>>) src(%dma_wait3A_426 : memref<128x128xf32, #tpu.memory_space<vmem>>) dst(%dma_wait3A_423 : memref<128x128xf32, #tpu.memory_space<hbm>>)
    %dma_start3A_427 = arith.constant 0 : i32
    %dma_start3A_428 = arith.constant 0 : i32
    %dma_start3A_429 = tpu.memref_slice %arg6[%dma_start3A_427, %dma_start3A_428] : memref<128x128xf32, #tpu.memory_space<vmem>> -> memref<64x128xf32, #tpu.memory_space<vmem>>
    %dma_start3A_430 = arith.constant 1536 : i32
    %dma_start3A_431 = tpu.memref_slice %arg5[%dma_start3A_430] : memref<1600xi32, #tpu.memory_space<vmem>> -> memref<64xi32, #tpu.memory_space<vmem>>
    %dma_start3A_432 = arith.constant 0 : i32
    %dma_start3A_433 = arith.constant 0 : i32
    %dma_start3A_434 = tpu.memref_slice %arg2[%dma_start3A_432, %dma_start3A_433] : memref<100000x128xf32, #tpu.memory_space<hbm>> -> memref<100000x128xf32, #tpu.memory_space<hbm>>
    tpu.enqueue_indirect_dma source(%dma_start3A_434 : memref<100000x128xf32, #tpu.memory_space<hbm>>) target(%dma_start3A_429 : memref<64x128xf32, #tpu.memory_space<vmem>>) offsets(%dma_start3A_431 : memref<64xi32, #tpu.memory_space<vmem>>) semaphore(%arg8 : memref<!tpu.dma_semaphore, #tpu.memory_space<semaphore_mem>>)
    %dma_wait3A_435 = arith.constant 0 : i32
    %dma_wait3A_436 = arith.constant 0 : i32
    %dma_wait3A_437 = tpu.memref_slice %arg7[%dma_wait3A_435, %dma_wait3A_436] : memref<128x128xf32, #tpu.memory_space<vmem>> -> memref<128x128xf32, #tpu.memory_space<vmem>>
    %dma_wait3A_438 = arith.constant 1408 : i32
    %dma_wait3A_439 = tpu.memref_slice %arg5[%dma_wait3A_438] : memref<1600xi32, #tpu.memory_space<vmem>> -> memref<128xi32, #tpu.memory_space<vmem>>
    %dma_wait3A_440 = arith.constant 0 : i32
    %dma_wait3A_441 = arith.constant 0 : i32
    %dma_wait3A_442 = tpu.memref_slice %arg2[%dma_wait3A_440, %dma_wait3A_441] : memref<100000x128xf32, #tpu.memory_space<hbm>> -> memref<100000x128xf32, #tpu.memory_space<hbm>>
    tpu.wait_indirect_dma semaphore(%arg9 : memref<!tpu.dma_semaphore, #tpu.memory_space<semaphore_mem>>) src(%dma_wait3A_442 : memref<100000x128xf32, #tpu.memory_space<hbm>>) dst(%dma_wait3A_437 : memref<128x128xf32, #tpu.memory_space<vmem>>)
    %add3A_443 = arith.constant 1408 : i32
    %add3A_444 = arith.addi %mul3A_2, %add3A_443 : i32
    %dma_start3A_445 = arith.constant 0 : i32
    %dma_start3A_446 = arith.constant 0 : i32
    %dma_start3A_447 = tpu.memref_slice %arg7[%dma_start3A_445, %dma_start3A_446] : memref<128x128xf32, #tpu.memory_space<vmem>> -> memref<128x128xf32, #tpu.memory_space<vmem>>
    %dma_start3A_448 = arith.constant 0 : i32
    %dma_start3A_449 = tpu.memref_slice %arg4[%add3A_444, %dma_start3A_448] : memref<51200x128xf32, #tpu.memory_space<hbm>> -> memref<128x128xf32, #tpu.memory_space<hbm>>
    %dma_start3A_450 = arith.constant 0 : i32
    %dma_start3A_451 = tpu.memref_slice %arg4[%add3A_444, %dma_start3A_450] : memref<51200x128xf32, #tpu.memory_space<hbm>> -> memref<128x128xf32, #tpu.memory_space<hbm>>
    %dma_start3A_452 = arith.constant 0 : i32
    %dma_start3A_453 = arith.constant 0 : i32
    %dma_start3A_454 = tpu.memref_slice %arg7[%dma_start3A_452, %dma_start3A_453] : memref<128x128xf32, #tpu.memory_space<vmem>> -> memref<128x128xf32, #tpu.memory_space<vmem>>
    tpu.enqueue_dma source(%dma_start3A_454 : memref<128x128xf32, #tpu.memory_space<vmem>>) target(%dma_start3A_451 : memref<128x128xf32, #tpu.memory_space<hbm>>) target_semaphore(%arg11 : memref<!tpu.dma_semaphore, #tpu.memory_space<semaphore_mem>>)
    %dma_wait3A_455 = arith.constant 0 : i32
    %dma_wait3A_456 = arith.constant 0 : i32
    %dma_wait3A_457 = tpu.memref_slice %arg6[%dma_wait3A_455, %dma_wait3A_456] : memref<128x128xf32, #tpu.memory_space<vmem>> -> memref<64x128xf32, #tpu.memory_space<vmem>>
    %dma_wait3A_458 = arith.constant 1536 : i32
    %dma_wait3A_459 = tpu.memref_slice %arg5[%dma_wait3A_458] : memref<1600xi32, #tpu.memory_space<vmem>> -> memref<64xi32, #tpu.memory_space<vmem>>
    %dma_wait3A_460 = arith.constant 0 : i32
    %dma_wait3A_461 = arith.constant 0 : i32
    %dma_wait3A_462 = tpu.memref_slice %arg2[%dma_wait3A_460, %dma_wait3A_461] : memref<100000x128xf32, #tpu.memory_space<hbm>> -> memref<100000x128xf32, #tpu.memory_space<hbm>>
    tpu.wait_indirect_dma semaphore(%arg8 : memref<!tpu.dma_semaphore, #tpu.memory_space<semaphore_mem>>) src(%dma_wait3A_462 : memref<100000x128xf32, #tpu.memory_space<hbm>>) dst(%dma_wait3A_457 : memref<64x128xf32, #tpu.memory_space<vmem>>)
    %add3A_463 = arith.constant 1536 : i32
    %add3A_464 = arith.addi %mul3A_2, %add3A_463 : i32
    %dma_start3A_465 = arith.constant 0 : i32
    %dma_start3A_466 = arith.constant 0 : i32
    %dma_start3A_467 = tpu.memref_slice %arg6[%dma_start3A_465, %dma_start3A_466] : memref<128x128xf32, #tpu.memory_space<vmem>> -> memref<64x128xf32, #tpu.memory_space<vmem>>
    %dma_start3A_468 = arith.constant 0 : i32
    %dma_start3A_469 = tpu.memref_slice %arg4[%add3A_464, %dma_start3A_468] : memref<51200x128xf32, #tpu.memory_space<hbm>> -> memref<64x128xf32, #tpu.memory_space<hbm>>
    %dma_start3A_470 = arith.constant 0 : i32
    %dma_start3A_471 = tpu.memref_slice %arg4[%add3A_464, %dma_start3A_470] : memref<51200x128xf32, #tpu.memory_space<hbm>> -> memref<64x128xf32, #tpu.memory_space<hbm>>
    %dma_start3A_472 = arith.constant 0 : i32
    %dma_start3A_473 = arith.constant 0 : i32
    %dma_start3A_474 = tpu.memref_slice %arg6[%dma_start3A_472, %dma_start3A_473] : memref<128x128xf32, #tpu.memory_space<vmem>> -> memref<64x128xf32, #tpu.memory_space<vmem>>
    tpu.enqueue_dma source(%dma_start3A_474 : memref<64x128xf32, #tpu.memory_space<vmem>>) target(%dma_start3A_471 : memref<64x128xf32, #tpu.memory_space<hbm>>) target_semaphore(%arg10 : memref<!tpu.dma_semaphore, #tpu.memory_space<semaphore_mem>>)
    %dma_wait3A_475 = arith.constant 0 : i32
    %dma_wait3A_476 = arith.constant 0 : i32
    %dma_wait3A_477 = tpu.memref_slice %arg6[%dma_wait3A_475, %dma_wait3A_476] : memref<128x128xf32, #tpu.memory_space<vmem>> -> memref<64x128xf32, #tpu.memory_space<vmem>>
    %dma_wait3A_478 = arith.constant 0 : i32
    %dma_wait3A_479 = tpu.memref_slice %arg4[%add3A_464, %dma_wait3A_478] : memref<51200x128xf32, #tpu.memory_space<hbm>> -> memref<64x128xf32, #tpu.memory_space<hbm>>
    %dma_wait3A_480 = arith.constant 0 : i32
    %dma_wait3A_481 = tpu.memref_slice %arg4[%add3A_464, %dma_wait3A_480] : memref<51200x128xf32, #tpu.memory_space<hbm>> -> memref<64x128xf32, #tpu.memory_space<hbm>>
    %dma_wait3A_482 = arith.constant 0 : i32
    %dma_wait3A_483 = arith.constant 0 : i32
    %dma_wait3A_484 = tpu.memref_slice %arg6[%dma_wait3A_482, %dma_wait3A_483] : memref<128x128xf32, #tpu.memory_space<vmem>> -> memref<64x128xf32, #tpu.memory_space<vmem>>
    tpu.wait_dma2 semaphore(%arg10 : memref<!tpu.dma_semaphore, #tpu.memory_space<semaphore_mem>>) src(%dma_wait3A_484 : memref<64x128xf32, #tpu.memory_space<vmem>>) dst(%dma_wait3A_481 : memref<64x128xf32, #tpu.memory_space<hbm>>)
    %dma_wait3A_485 = arith.constant 0 : i32
    %dma_wait3A_486 = arith.constant 0 : i32
    %dma_wait3A_487 = tpu.memref_slice %arg7[%dma_wait3A_485, %dma_wait3A_486] : memref<128x128xf32, #tpu.memory_space<vmem>> -> memref<128x128xf32, #tpu.memory_space<vmem>>
    %dma_wait3A_488 = arith.constant 0 : i32
    %dma_wait3A_489 = tpu.memref_slice %arg4[%add3A_444, %dma_wait3A_488] : memref<51200x128xf32, #tpu.memory_space<hbm>> -> memref<128x128xf32, #tpu.memory_space<hbm>>
    %dma_wait3A_490 = arith.constant 0 : i32
    %dma_wait3A_491 = tpu.memref_slice %arg4[%add3A_444, %dma_wait3A_490] : memref<51200x128xf32, #tpu.memory_space<hbm>> -> memref<128x128xf32, #tpu.memory_space<hbm>>
    %dma_wait3A_492 = arith.constant 0 : i32
    %dma_wait3A_493 = arith.constant 0 : i32
    %dma_wait3A_494 = tpu.memref_slice %arg7[%dma_wait3A_492, %dma_wait3A_493] : memref<128x128xf32, #tpu.memory_space<vmem>> -> memref<128x128xf32, #tpu.memory_space<vmem>>
    tpu.wait_dma2 semaphore(%arg11 : memref<!tpu.dma_semaphore, #tpu.memory_space<semaphore_mem>>) src(%dma_wait3A_494 : memref<128x128xf32, #tpu.memory_space<vmem>>) dst(%dma_wait3A_491 : memref<128x128xf32, #tpu.memory_space<hbm>>)
    return
  }
}

module attributes {stable_mosaic.version = 14 : i64} {
  func.func @_ln_body(%arg0: i32, %arg1: memref<50x128x128xf32, #tpu.memory_space<vmem>>, %arg2: memref<50x128xi32, #tpu.memory_space<vmem>>, %arg3: memref<50x128xf32, #tpu.memory_space<vmem>>, %arg4: memref<2x128xf32, #tpu.memory_space<vmem>>, %arg5: memref<128xf32, #tpu.memory_space<vmem>>, %arg6: memref<128xf32, #tpu.memory_space<vmem>>, %arg7: memref<50x128x128xf32, #tpu.memory_space<vmem>>) attributes {dimension_semantics = [#tpu.dimension_semantics<arbitrary>], iteration_bounds = array<i64: 8>, scalar_prefetch = 0 : i64, scratch_operands = 0 : i64, tpu.core_type = #tpu.core_type<tc>, window_params = [{transform_indices = @transform_0, window_bounds = array<i64: 50, 128, 128>}, {transform_indices = @transform_1, window_bounds = array<i64: 50, 128>}, {pipeline_mode = #tpu.pipeline_mode<synchronous>, transform_indices = @transform_2, window_bounds = array<i64: 50, 128>}, {pipeline_mode = #tpu.pipeline_mode<synchronous>, transform_indices = @transform_3, window_bounds = array<i64: 2, 128>}, {pipeline_mode = #tpu.pipeline_mode<synchronous>, transform_indices = @transform_4, window_bounds = array<i64: 128>}, {pipeline_mode = #tpu.pipeline_mode<synchronous>, transform_indices = @transform_5, window_bounds = array<i64: 128>}, {transform_indices = @transform_6, window_bounds = array<i64: 50, 128, 128>}]} {
    %get3A = arith.constant 0 : index
    %get3A_0 = arith.constant 0 : index
    %get3A_1 = arith.constant 0 : index
    %get3A_2 = vector.load %arg1[%get3A, %get3A_0, %get3A_1] : memref<50x128x128xf32, #tpu.memory_space<vmem>>, vector<50x128x128xf32>
    %get3A_3 = arith.constant 0 : index
    %get3A_4 = arith.constant 0 : index
    %get3A_5 = vector.load %arg2[%get3A_3, %get3A_4] : memref<50x128xi32, #tpu.memory_space<vmem>>, vector<50x128xi32>
    %convert_element_type3A = arith.sitofp %get3A_5 : vector<50x128xi32> to vector<50x128xf32>
    %get3A_6 = arith.constant 0 : index
    %get3A_7 = arith.constant 0 : index
    %get3A_8 = vector.load %arg3[%get3A_6, %get3A_7] : memref<50x128xf32, #tpu.memory_space<vmem>>, vector<50x128xf32>
    %get3A_9 = arith.constant 0 : index
    %get3A_10 = arith.constant 0 : index
    %get3A_11 = vector.load %arg4[%get3A_9, %get3A_10] : memref<2x128xf32, #tpu.memory_space<vmem>>, vector<2x128xf32>
    %slice3A = vector.extract_strided_slice %get3A_11 {offsets = [0, 0], sizes = [1, 128], strides = [1, 1]} : vector<2x128xf32> to vector<1x128xf32>
    %squeeze3A = vector.shape_cast %slice3A : vector<1x128xf32> to vector<128xf32>
    %broadcast_in_dim3A = vector.shape_cast %squeeze3A : vector<128xf32> to vector<1x1x128xf32>
    %broadcast_in_dim3A_12 = vector.shape_cast %convert_element_type3A : vector<50x128xf32> to vector<50x128x1xf32>
    %slice3A_13 = vector.extract_strided_slice %get3A_11 {offsets = [1, 0], sizes = [1, 128], strides = [1, 1]} : vector<2x128xf32> to vector<1x128xf32>
    %squeeze3A_14 = vector.shape_cast %slice3A_13 : vector<1x128xf32> to vector<128xf32>
    %slice3A_15 = vector.extract_strided_slice %get3A_11 {offsets = [0, 0], sizes = [1, 128], strides = [1, 1]} : vector<2x128xf32> to vector<1x128xf32>
    %squeeze3A_16 = vector.shape_cast %slice3A_15 : vector<1x128xf32> to vector<128xf32>
    %sub3A = arith.subf %squeeze3A_14, %squeeze3A_16 : vector<128xf32>
    %broadcast_in_dim3A_17 = vector.shape_cast %sub3A : vector<128xf32> to vector<1x1x128xf32>
    %mul3A = vector.broadcast %broadcast_in_dim3A_12 : vector<50x128x1xf32> to vector<50x128x128xf32>
    %mul3A_18 = vector.broadcast %broadcast_in_dim3A_17 : vector<1x1x128xf32> to vector<50x128x128xf32>
    %mul3A_19 = arith.mulf %mul3A, %mul3A_18 : vector<50x128x128xf32>
    %add3A = vector.broadcast %broadcast_in_dim3A : vector<1x1x128xf32> to vector<50x128x128xf32>
    %add3A_20 = arith.addf %add3A, %mul3A_19 : vector<50x128x128xf32>
    %broadcast_in_dim3A_21 = vector.shape_cast %get3A_8 : vector<50x128xf32> to vector<50x1x128xf32>
    %add3A_22 = vector.broadcast %broadcast_in_dim3A_21 : vector<50x1x128xf32> to vector<50x128x128xf32>
    %add3A_23 = arith.addf %get3A_2, %add3A_22 : vector<50x128x128xf32>
    %add3A_24 = arith.addf %add3A_23, %add3A_20 : vector<50x128x128xf32>
    %reduce_sum3A = arith.constant dense<0.000000e+00> : vector<50x128xf32>
    %reduce_sum3A_25 = vector.multi_reduction <add>, %add3A_24, %reduce_sum3A [2] : vector<50x128x128xf32> to vector<50x128xf32>
    %broadcast_in_dim3A_26 = vector.shape_cast %reduce_sum3A_25 : vector<50x128xf32> to vector<50x128x1xf32>
    %div3A = arith.constant 1.280000e+02 : f32
    %div3A_27 = vector.broadcast %div3A : f32 to vector<50x128x1xf32>
    %div3A_28 = arith.divf %broadcast_in_dim3A_26, %div3A_27 : vector<50x128x1xf32>
    %sub3A_29 = vector.broadcast %div3A_28 : vector<50x128x1xf32> to vector<50x128x128xf32>
    %sub3A_30 = arith.subf %add3A_24, %sub3A_29 : vector<50x128x128xf32>
    %square3A = arith.mulf %sub3A_30, %sub3A_30 : vector<50x128x128xf32>
    %reduce_sum3A_31 = arith.constant dense<0.000000e+00> : vector<50x128xf32>
    %reduce_sum3A_32 = vector.multi_reduction <add>, %square3A, %reduce_sum3A_31 [2] : vector<50x128x128xf32> to vector<50x128xf32>
    %broadcast_in_dim3A_33 = vector.shape_cast %reduce_sum3A_32 : vector<50x128xf32> to vector<50x128x1xf32>
    %div3A_34 = arith.constant 1.280000e+02 : f32
    %div3A_35 = vector.broadcast %div3A_34 : f32 to vector<50x128x1xf32>
    %div3A_36 = arith.divf %broadcast_in_dim3A_33, %div3A_35 : vector<50x128x1xf32>
    %sub3A_37 = vector.broadcast %div3A_28 : vector<50x128x1xf32> to vector<50x128x128xf32>
    %sub3A_38 = arith.subf %add3A_24, %sub3A_37 : vector<50x128x128xf32>
    %add3A_39 = arith.constant 9.99999974E-6 : f32
    %add3A_40 = vector.broadcast %add3A_39 : f32 to vector<50x128x1xf32>
    %add3A_41 = arith.addf %div3A_36, %add3A_40 : vector<50x128x1xf32>
    %rsqrt3A = math.rsqrt %add3A_41 : vector<50x128x1xf32>
    %mul3A_42 = vector.broadcast %rsqrt3A : vector<50x128x1xf32> to vector<50x128x128xf32>
    %mul3A_43 = arith.mulf %sub3A_38, %mul3A_42 : vector<50x128x128xf32>
    %get3A_44 = arith.constant 0 : index
    %get3A_45 = vector.load %arg5[%get3A_44] : memref<128xf32, #tpu.memory_space<vmem>>, vector<128xf32>
    %broadcast_in_dim3A_46 = vector.shape_cast %get3A_45 : vector<128xf32> to vector<1x1x128xf32>
    %mul3A_47 = vector.broadcast %broadcast_in_dim3A_46 : vector<1x1x128xf32> to vector<50x128x128xf32>
    %mul3A_48 = arith.mulf %mul3A_43, %mul3A_47 : vector<50x128x128xf32>
    %get3A_49 = arith.constant 0 : index
    %get3A_50 = vector.load %arg6[%get3A_49] : memref<128xf32, #tpu.memory_space<vmem>>, vector<128xf32>
    %broadcast_in_dim3A_51 = vector.shape_cast %get3A_50 : vector<128xf32> to vector<1x1x128xf32>
    %add3A_52 = vector.broadcast %broadcast_in_dim3A_51 : vector<1x1x128xf32> to vector<50x128x128xf32>
    %add3A_53 = arith.addf %mul3A_48, %add3A_52 : vector<50x128x128xf32>
    %swap3A = arith.constant 0 : index
    %swap3A_54 = arith.constant 0 : index
    %swap3A_55 = arith.constant 0 : index
    %swap3A_56 = vector.load %arg7[%swap3A, %swap3A_54, %swap3A_55] : memref<50x128x128xf32, #tpu.memory_space<vmem>>, vector<50x128x128xf32>
    tpu.vector_store %arg7[%swap3A, %swap3A_54, %swap3A_55], %add3A_53 {strides = array<i32>} : memref<50x128x128xf32, #tpu.memory_space<vmem>>, vector<50x128x128xf32>,
    return
  }
  func.func @transform_0(%arg0: i32) -> (i32, i32, i32) {
    %c0_i32 = arith.constant 0 : i32
    %c0_i32_0 = arith.constant 0 : i32
    %c0_i32_1 = arith.constant 0 : i32
    return %c0_i32, %arg0, %c0_i32_0 : i32, i32, i32
  }
  func.func @transform_1(%arg0: i32) -> (i32, i32) {
    %c0_i32 = arith.constant 0 : i32
    %c0_i32_0 = arith.constant 0 : i32
    return %c0_i32, %arg0 : i32, i32
  }
  func.func @transform_2(%arg0: i32) -> (i32, i32) {
    %c0_i32 = arith.constant 0 : i32
    %c0_i32_0 = arith.constant 0 : i32
    %c0_i32_1 = arith.constant 0 : i32
    return %c0_i32, %c0_i32_0 : i32, i32
  }
  func.func @transform_3(%arg0: i32) -> (i32, i32) {
    %c0_i32 = arith.constant 0 : i32
    %c0_i32_0 = arith.constant 0 : i32
    %c0_i32_1 = arith.constant 0 : i32
    return %c0_i32, %c0_i32_0 : i32, i32
  }
  func.func @transform_4(%arg0: i32) -> i32 {
    %c0_i32 = arith.constant 0 : i32
    %c0_i32_0 = arith.constant 0 : i32
    return %c0_i32 : i32
  }
  func.func @transform_5(%arg0: i32) -> i32 {
    %c0_i32 = arith.constant 0 : i32
    %c0_i32_0 = arith.constant 0 : i32
    return %c0_i32 : i32
  }
  func.func @transform_6(%arg0: i32) -> (i32, i32, i32) {
    %c0_i32 = arith.constant 0 : i32
    %c0_i32_0 = arith.constant 0 : i32
    %c0_i32_1 = arith.constant 0 : i32
    return %c0_i32, %arg0, %c0_i32_0 : i32, i32, i32
  }
}

</mosaic_0001>

<sc_bundles>
// kernel: kernel.4.cloned.1.call-start
scs
__scs_entry_jumppad:
0x0: {  	(pc) =	sbr.rel $0x88, $3  }
0x1: {  	(tag) =	ssettag $0x0;
	lr =	simm.s32 $0x1  }
0x2: {  	[smem:$0x3F9A] =	sst lr;
	_ =	strace $0xD0000000  }
0x3: {  	_ = 	snop  }
0x4: {  	_ = 	snop  }
0x5: {  	_ = 	snop  }
0x6: {  	_ = 	snop  }
0x7: {  	_ = 	snop  }
__scs_overlays_trampoline_lowered:
0x8: {  	[smem:$0x3FA9] =	sst s0  }
0x9: {  	[smem:$0x3FAA] =	sst s1  }
0xa: {  	[smem:$0x3FAB] =	sst s2  }
0xb: {  	[smem:$0x3FAC] =	sst s3  }
0xc: {  	[smem:$0x3FAD] =	sst s4  }
0xd: {  	[smem:$0x3FAE] =	sst s5  }
0xe: {  	[smem:$0x3FAF] =	sst s6  }
0xf: {  	[smem:$0x3FB0] =	sst s7  }
0x10: {  	[smem:$0x3FB1] =	sst s8  }
0x11: {  	[smem:$0x3FB2] =	sst s9;
	s0 =	simm.s32 @!p0 $0x0  }
0x12: {  	s1 =	sld [smem:$0x3F98];
	s0 =	simm.s32 @p0 $0x1  }
0x13: {  	[smem:$0x3FB3] =	sst s0;
	s0 =	simm.s32 @!p1 $0x0  }
0x14: {  	s2 =	sld [smem:$0x3F97];
	s0 =	simm.s32 @p1 $0x1  }
0x15: {  	[smem:$0x3FB4] =	sst s0;
	s0 =	simm.s32 @!p2 $0x0  }
0x16: {  	s3 =	sld [smem:$0x3FDB];
	s0 =	simm.s32 @p2 $0x1  }
0x17: {  	s4 =	simm.s32 $0x1BF5;
	[smem:$0x3FB6] =	sst s0  }
0x18: {  	s0 =	sld [smem:$0x3F99];
	_ =	swait.ge [sflag:s4], $0x0  }
0x19: {  	s7 =	sld [smem:$0x3F9A]  }
0x1a: {  	s8 =	sadd.s32 $0xFFFFE003, lr  }
0x1b: {  	s9 =	sadd.s32 $0xFFFFFEF7, lr;
	s5 =	simm.s32 $0xFFFFFFFF;
	p2 =	slt.u32 s8, $0xFFFFF086  }
0x1c: {  	p1 =	slt.u32 s9, $0xF7A;
	s5 =	simm.s32 @!p2 $0x0  }
0x1d: {  	s5 =	simm.s32 @p1 $0x1;
	p0 =	seq.s32 s7, s2  }
0x1e: {  	s7 =	smul.u32 @!p0 $0xF7A, s2;
	p2 =	seq.s32 @!p0 s5, $0x0  }
0x1f: {  	s9 =	smul.u32 $0xF7A, s1;
	s8 =	simm.s32 @!p0 $0x1BF5;
	p2 =	por !p2, p0  }
0x20: {  	[sflag:s8] =	ssyncset.s32 @!p0 $0xFFFFF086;
	s6 =	sadd.s32 @!p0 s3, s7;
	s7 =	simm.s32 @!p0 $0x108  }
0x21: {  	s3 =	sadd.s32 s3, s9;
	s6 =	sadd.s32 @!p0 $0x88, s6;
	s7 =	simm.s32 @p2 $0x1082  }
0x22: {  	[simem:s7], [sflag:s8] =	dma.local @!p0 [hbm:s6], $0xF7A  }
0x23: {  	s9 =	sor.u32 $0xD0000000, s2;
	s6 =	simm.s32 $0x108;
	_ =	swait.ge @!p0 [sflag:s8], $0x0  }
0x24: {  	s3 =	sadd.s32 $0x88, s3;
	s6 =	simm.s32 @!p1 $0x1082;
	[sflag:s4] =	ssyncset.s32 $0xFFFFF086  }
0x25: {  	[simem:s6], [sflag:s4] =	dma.local [hbm:s3], $0xF7A  }
0x26: {  	[smem:$0x3F9A] =	sst s1;
	(tag) =	ssettag s2;
	_ =	strace s9  }
0x27: {  	s1 =	sld [smem:$0x3FAA]  }
0x28: {  	s2 =	sld [smem:$0x3FAB]  }
0x29: {  	s4 =	sld [smem:$0x3FAD]  }
0x2a: {  	p0 =	seq.s32 s5, $0x0;
	s5 =	sld [smem:$0x3FAE]  }
0x2b: {  	s6 =	sld [smem:$0x3FAF]  }
0x2c: {  	s7 =	sld [smem:$0x3FB0]  }
0x2d: {  	s3 =	simm.s32 $0x108;
	s8 =	sld [smem:$0x3FB1]  }
0x2e: {  	s3 =	simm.s32 @!p0 $0x1082;
	s9 =	sld [smem:$0x3FB2]  }
0x2f: {  	lr =	sadd.s32 s0, s3;
	s0 =	sld [smem:$0x3FA9]  }
0x30: {  	s3 =	sld [smem:$0x3FAC]  }
0x31: {  	[smem:$0x3FB5] =	sst s10  }
0x32: {  	s10 =	sld [smem:$0x3FB3];
	_ =	sdelay $0x3  }
0x33: {  	p0 =	seq.s32 s10, $0x1;
	s10 =	sld [smem:$0x3FB5];
	_ =	sdelay $0x3  }
0x34: {  	[smem:$0x3FB5] =	sst s10  }
0x35: {  	s10 =	sld [smem:$0x3FB4];
	_ =	sdelay $0x3  }
0x36: {  	p1 =	seq.s32 s10, $0x1;
	s10 =	sld [smem:$0x3FB5];
	_ =	sdelay $0x3  }
0x37: {  	[smem:$0x3FB5] =	sst s10  }
0x38: {  	s10 =	sld [smem:$0x3FB6]  }
0x39: {  	_ = 	snop;
	(pc) =	sbr.ind lr, $3  }
0x3a: {  	_ = 	snop  }
0x3b: {  	_ = 	snop  }
0x3c: {  	p2 =	seq.s32 s10, $0x1;
	s10 =	sld [smem:$0x3FB5]  }
0x3d: {  	_ =	shalt  }
0x3e: {  	_ =	shalt  }
0x3f: {  	_ =	shalt  }
0x40: {  	_ =	shalt  }
0x41: {  	_ =	shalt  }
0x42: {  	_ =	shalt  }
0x43: {  	_ =	shalt  }
0x44: {  	_ =	shalt  }
0x45: {  	_ =	shalt  }
0x46: {  	_ =	shalt  }
0x47: {  	_ =	shalt  }
0x48: {  	_ =	shalt  }
0x49: {  	_ =	shalt  }
0x4a: {  	_ =	shalt  }
0x4b: {  	_ =	shalt  }
0x4c: {  	_ =	shalt  }
0x4d: {  	_ =	shalt  }
0x4e: {  	_ =	shalt  }
0x4f: {  	_ =	shalt  }
0x50: {  	_ =	shalt  }
0x51: {  	_ =	shalt  }
0x52: {  	_ =	shalt  }
0x53: {  	_ =	shalt  }
0x54: {  	_ =	shalt  }
0x55: {  	_ =	shalt  }
0x56: {  	_ =	shalt  }
0x57: {  	_ =	shalt  }
0x58: {  	_ =	shalt  }
0x59: {  	_ =	shalt  }
0x5a: {  	_ =	shalt  }
0x5b: {  	_ =	shalt  }
0x5c: {  	_ =	shalt  }
0x5d: {  	_ =	shalt  }
0x5e: {  	_ =	shalt  }
0x5f: {  	_ =	shalt  }
0x60: {  	_ =	shalt  }
0x61: {  	_ =	shalt  }
0x62: {  	_ =	shalt  }
0x63: {  	_ =	shalt  }
0x64: {  	_ =	shalt  }
0x65: {  	_ =	shalt  }
0x66: {  	_ =	shalt  }
0x67: {  	_ =	shalt  }
0x68: {  	_ =	shalt  }
0x69: {  	_ =	shalt  }
0x6a: {  	_ =	shalt  }
0x6b: {  	_ =	shalt  }
0x6c: {  	_ =	shalt  }
0x6d: {  	_ =	shalt  }
0x6e: {  	_ =	shalt  }
0x6f: {  	_ =	shalt  }
0x70: {  	_ =	shalt  }
0x71: {  	_ =	shalt  }
0x72: {  	_ =	shalt  }
0x73: {  	_ =	shalt  }
0x74: {  	_ =	shalt  }
0x75: {  	_ =	shalt  }
0x76: {  	_ =	shalt  }
0x77: {  	_ =	shalt  }
0x78: {  	_ =	shalt  }
0x79: {  	_ =	shalt  }
0x7a: {  	_ =	shalt  }
0x7b: {  	_ =	shalt  }
0x7c: {  	_ =	shalt  }
0x7d: {  	_ =	shalt  }
0x7e: {  	_ =	shalt  }
0x7f: {  	_ =	shalt  }
0x80: {  	_ =	shalt  }
0x81: {  	_ =	shalt  }
0x82: {  	_ =	shalt  }
0x83: {  	_ =	shalt  }
0x84: {  	_ =	shalt  }
0x85: {  	_ =	shalt  }
0x86: {  	_ =	shalt  }
0x87: {  	_ =	shalt  }
.Lfunc_end0:
.L_simem_size_0:
called_computation_lowered:
.L_overlay_start_0:
0x88: {  	s2 =	sld [smem:$0x3FD9]  }
0x89: {  	s3 =	sld [smem:$0x3FFE];
	_ =	sdelay $0x1  }
0x8a: {  	s1 =	srdreg.scid  }
0x8b: {  	s0 =	sand.u32 $0x1, s1  }
0x8c: {  	s17 =	sshll.u32 s0, $0xA;
	s2 =	sadd.s32 s3, s2  }
0x8d: {  	s2 =	sadd.s32 s2, s17  }
0x8e: {  	[smem:$0x3FC1] =	sst s2  }
0x8f: {  	_ = 	snop  }
0x90: {  	s2 =	sld [smem:$0x3FC7]  }
0x91: {  	s18 =	sld [smem:$0x3FD0];
	(tm) =	ssettm $0x1  }
0x92: {  	s4 =	sld [smem:$0x3FFB];
	_ =	sdelay $0x3  }
0x93: {  	_ =	strace s4  }
0x94: {  	s4 =	sld [smem:$0x3FFC];
	_ =	sdelay $0x3  }
0x95: {  	_ =	strace s4  }
0x96: {  	s4 =	sld [smem:$0x3FFD];
	_ =	sdelay $0x3  }
0x97: {  	_ =	strace s4  }
0x98: {  	_ =	strace $0x8FFFFFFF  }
0x99: {  	s19 =	sld [smem:$0x3FDB];
	_ =	sdelay $0x1  }
0x9a: {  	s5 =	simm.s32 $_scs_section_size  }
0x9b: {  	s6 =	simm.s32 $_size__tile_overlayer_lowered;
	s7 =	simm.s32 $_tile_overlayer_lowered  }
0x9c: {  	s22 =	simm.s32 $0x1BFF;
	s21 =	sshll.u32 s7, $0x1;
	s4 =	sadd.s32 s5, s19  }
0x9d: {  	s8 =	simm.s32 $0x0;
	s20 =	sshll.u32 s6, $0x1;
	s6 =	sadd.s32 s21, s4  }
0x9e: {  	[timem:s8], [sflag:s22] =	dma.local [hbm:s6], s20  }
0x9f: {  	_ =	swait.ge [sflag:s22], s20  }
0xa0: {  	s5 =	ssub.s32 $0x0, s20;
	[sflag:s22] =	ssyncset.done $0x0  }
0xa1: {  	[sflag:s22] =	ssyncadd.s32 s5;
	_ =	sdelay $0x1  }
0xa2: {  	s23 =	simm.s32 $0x1B8B  }
0xa3: {  	_ =	swait.ge [sflag:s23], $0x1  }
0xa4: {  	[sflag:s23] =	ssyncset.done $0x0  }
0xa5: {  	s25 =	simm.s32 $0x1B8E;
	s24 =	sld [smem:$0x3FFE];
	[sflag:s23] =	ssyncadd.s32 $0xFFFFFFFF  }
0xa6: {  	s26 =	simm.s32 $execute0_lowered;
	[smem:$0x3FD2] =	sst s25  }
0xa7: {  	s6 =	sshll.u32 s26, $0x1;
	_ =	strace $0x80000046;
	[dreg:$0x1] =	wrdreg $0xFFFFFFFF  }
0xa8: {  	s28 =	simm.s32 $_size_execute0_lowered;
	s4 =	sadd.s32 s4, s6;
	[dreg:$0x0] =	wrdreg $0x0  }
0xa9: {  	s6 =	sshll.u32 s28, $0x1;
	[dreg:$0x2] =	wrdreg s4  }
0xaa: {  	[dreg:$0x3] =	wrdreg s6  }
0xab: {  	[dreg:$0x4] =	wrdreg $0xC0  }
0xac: {  	_ =	task [dreg:s8], $0x5FFFF  }
0xad: {  	[dreg:$0x1] =	wrdreg $0xFFFFFFFF  }
0xae: {  	[dreg:$0x0] =	wrdreg $0x60  }
0xaf: {  	[dreg:$0x2] =	wrdreg s2  }
0xb0: {  	[dreg:$0x3] =	wrdreg s18  }
0xb1: {  	[dreg:$0x4] =	wrdreg s24  }
0xb2: {  	[dreg:$0x5] =	wrdreg $0x9  }
0xb3: {  	_ =	task.clear_ibuf [dreg:s8], $0x6FFFF;
	_ =	strace $0x90000046  }
0xb4: {  	s29 =	simm.s32 $0x9;
	_ =	strace $0x80000048  }
0xb5: {  	_ =	swait.ge [sflag:s29], $0x1  }
0xb6: {  	[sflag:s29] =	ssyncadd.s32 $0xFFFFFFFF  }
0xb7: {  	_ =	strace $0x90000048  }
0xb8: {  	_ =	sfence  }
0xb9: {  	s30 =	sld [smem:$0x0];
	_ =	sdelay $0x2  }
0xba: {  	s31 =	sshll.u32 s1, $0xD;
	s1 =	sshrl.u32 s1, $0x2  }
0xbb: {  	s3 =	sand.u32 $0x4000, s31;
	s1 =	sadd.s32 s1, s30  }
0xbc: {  	s0 =	sor.u32 s3, s0;
	s1 =	sshll.u32 s1, $0x11  }
0xbd: {  	s0 =	sor.u32 s1, s0  }
0xbe: {  	s0 =	sadd.s32 $0x8F2B, s0  }
0xbf: {  	[sflag:s0] =	ssyncadd.remote.s32 $0x1  }
0xc0: {  	_ =	sfence.sel $0xFFFF  }
0xc1: {  	[dreg:$0x0] =	wrdreg $0xFFFFFFFF;
	(pc) =	sbr.abs _section_cstart, $3  }
0xc2: {  	[dreg:$0x1] =	wrdreg $0xFFFFFFFF  }
0xc3: {  	_ =	task.clear_ibuf [dreg:s8], $0x2FFFF;
	_ =	strace $0x9FFFFFFF  }
0xc4: {  	(tm) =	ssettm $0x7FFFFFFF  }
0xc5: {  	_ =	shalt  }
tec
execute0_lowered:
.L_overlay_start_1:
0x0: {  	(tag) =	ssettag $0x1  }
0x1: {  	s2 =	srdreg.scid;
	s0 =	stileid.u32  }
0x2: {  	s2 =	sand.u32 $0x1, s2;
	s3 =	sshll.u32 s0, $0x1  }
0x3: {  	s1 =	rddreg [dreg:$0x0];
	s6 =	sor.u32 s2, s3  }
0x4: {  	s4 =	rddreg [dreg:$0x1];
	s7 =	smul.u32 $0xC8, s6  }
0x5: {  	s5 =	rddreg [dreg:$0x2];
	s3 =	simm.s32 $0x0;
	s8 =	smul.u32 $0x32000, s6  }
0x6: {  	[smem:$0x7FF] =	sst s3;
	s6 =	smul.u32 $0x6400, s6  }
0x7: {  	s5 =	sadd.s32 $0xC00, s5;
	_ =	strace $0x80000047;
	s4 =	sadd.s32 s4, s7  }
0x8: {  	s19 =	sshrl.u32 s8, $0x3;
	s20 =	sadd.s32 s5, s6;
	[dreg:$0x4] =	wrdreg s4  }
0x9: {  	s31 =	sadd.s32 s5, s19;
	[dreg:$0x5] =	wrdreg s20  }
0xa: {  	s21 =	sadd.s32 $0x800, s31;
	s25 =	rddreg [dreg:$0x4]  }
0xb: {  	s22 =	sadd.s32 $0x1000, s31;
	[dreg:$0x6] =	wrdreg s21  }
0xc: {  	s23 =	sadd.s32 $0x1800, s31;
	[dreg:$0x7] =	wrdreg s22  }
0xd: {  	s24 =	sadd.s32 $0x2000, s31;
	[dreg:$0x8] =	wrdreg s23  }
0xe: {  	s26 =	sadd.s32 $0x2800, s31;
	[dreg:$0x9] =	wrdreg s24  }
0xf: {  	s4 =	simm.s32 $0x5;
	[dreg:$0xa] =	wrdreg s26  }
0x10: {  	[tilespmem:s3], [sflag:$0x5] =	stream.linear.gather [hbm4b:s25+s3], $0x640, $0x38;
	[tilespmem:$0x8680] =	vst v63  }
0x11: {  	_ =	swait.ge [sflag:s4], $0x640  }
0x12: {  	[sflag:s4] =	ssyncset.done $0x0  }
0x13: {  	s6 =	simm.s32 $0x680;
	s5 =	simm.s32 $0x80;
	[sflag:s4] =	ssyncadd.s32 $0xFFFFF9C0  }
0x14: {  	[tilespmem:s6], [sflag:$0x1] =	stream.indirect.gather [hbm4b:s1+s5], $0x80, s3, s5, $0xb8;
	[tilespmem:$0x8680] =	vst v63  }
0x15: {  	s7 =	simm.s32 $0x4680;
	s8 =	simm.s32 $0x1  }
0x16: {  	[tilespmem:s7], [sflag:$0x2] =	stream.indirect.gather [hbm4b:s1+s5], $0x80, s5, s5, $0xb8;
	[tilespmem:$0x8680] =	vst v63  }
0x17: {  	_ =	swait.ge [sflag:s8], $0x4000  }
0x18: {  	[sflag:s8] =	ssyncset.done $0x0  }
0x19: {  	s9 =	simm.s32 $0x3;
	s10 =	rddreg [dreg:$0x5];
	[sflag:s8] =	ssyncadd.s32 $0xFFFFC000  }
0x1a: {  	[hbm4b:s10+s3] =	stream.linear.scatter [tilespmem:s6], [sflag:$0x3], $0x4000, $0x38;
	[tilespmem:$0x8680] =	vst v63  }
0x1b: {  	_ =	swait.ge [sflag:s9], $0x4000  }
0x1c: {  	[sflag:s9] =	ssyncset.done $0x0  }
0x1d: {  	s11 =	simm.s32 $0x2;
	s10 =	simm.s32 $0x100;
	[sflag:s9] =	ssyncadd.s32 $0xFFFFC000  }
0x1e: {  	[tilespmem:s6], [sflag:$0x1] =	stream.indirect.gather [hbm4b:s1+s5], $0x80, s10, s5, $0xb8;
	[tilespmem:$0x8680] =	vst v63  }
0x1f: {  	_ =	swait.ge [sflag:s11], $0x4000  }
0x20: {  	[sflag:s11] =	ssyncset.done $0x0  }
0x21: {  	s12 =	simm.s32 $0x4;
	s13 =	rddreg [dreg:$0x6];
	[sflag:s11] =	ssyncadd.s32 $0xFFFFC000  }
0x22: {  	[hbm4b:s13+s3] =	stream.linear.scatter [tilespmem:s7], [sflag:$0x4], $0x4000, $0x38;
	[tilespmem:$0x8680] =	vst v63  }
0x23: {  	_ =	swait.ge [sflag:s12], $0x4000  }
0x24: {  	[sflag:s12] =	ssyncset.done $0x0  }
0x25: {  	s13 =	simm.s32 $0x180;
	[sflag:s12] =	ssyncadd.s32 $0xFFFFC000  }
0x26: {  	[tilespmem:s7], [sflag:$0x2] =	stream.indirect.gather [hbm4b:s1+s5], $0x80, s13, s5, $0xb8;
	[tilespmem:$0x8680] =	vst v63  }
0x27: {  	_ =	swait.ge [sflag:s8], $0x4000  }
0x28: {  	[sflag:s8] =	ssyncset.done $0x0  }
0x29: {  	s14 =	rddreg [dreg:$0x7];
	[sflag:s8] =	ssyncadd.s32 $0xFFFFC000  }
0x2a: {  	[hbm4b:s14+s3] =	stream.linear.scatter [tilespmem:s6], [sflag:$0x3], $0x4000, $0x38;
	[tilespmem:$0x8680] =	vst v63  }
0x2b: {  	_ =	swait.ge [sflag:s9], $0x4000  }
0x2c: {  	[sflag:s9] =	ssyncset.done $0x0  }
0x2d: {  	s14 =	simm.s32 $0x200;
	[sflag:s9] =	ssyncadd.s32 $0xFFFFC000  }
0x2e: {  	[tilespmem:s6], [sflag:$0x1] =	stream.indirect.gather [hbm4b:s1+s5], $0x80, s14, s5, $0xb8;
	[tilespmem:$0x8680] =	vst v63  }
0x2f: {  	_ =	swait.ge [sflag:s11], $0x4000  }
0x30: {  	[sflag:s11] =	ssyncset.done $0x0  }
0x31: {  	s15 =	rddreg [dreg:$0x8];
	[sflag:s11] =	ssyncadd.s32 $0xFFFFC000  }
0x32: {  	[hbm4b:s15+s3] =	stream.linear.scatter [tilespmem:s7], [sflag:$0x4], $0x4000, $0x38;
	[tilespmem:$0x8680] =	vst v63  }
0x33: {  	_ =	swait.ge [sflag:s12], $0x4000  }
0x34: {  	[sflag:s12] =	ssyncset.done $0x0  }
0x35: {  	s15 =	simm.s32 $0x280;
	[sflag:s12] =	ssyncadd.s32 $0xFFFFC000  }
0x36: {  	[tilespmem:s7], [sflag:$0x2] =	stream.indirect.gather [hbm4b:s1+s5], $0x80, s15, s5, $0xb8;
	[tilespmem:$0x8680] =	vst v63  }
0x37: {  	_ =	swait.ge [sflag:s8], $0x4000  }
0x38: {  	[sflag:s8] =	ssyncset.done $0x0  }
0x39: {  	s16 =	rddreg [dreg:$0x9];
	[sflag:s8] =	ssyncadd.s32 $0xFFFFC000  }
0x3a: {  	[hbm4b:s16+s3] =	stream.linear.scatter [tilespmem:s6], [sflag:$0x3], $0x4000, $0x38;
	[tilespmem:$0x8680] =	vst v63  }
0x3b: {  	_ =	swait.ge [sflag:s9], $0x4000  }
0x3c: {  	[sflag:s9] =	ssyncset.done $0x0  }
0x3d: {  	s16 =	simm.s32 $0x300;
	[sflag:s9] =	ssyncadd.s32 $0xFFFFC000  }
0x3e: {  	[tilespmem:s6], [sflag:$0x1] =	stream.indirect.gather [hbm4b:s1+s5], $0x80, s16, s5, $0xb8;
	[tilespmem:$0x8680] =	vst v63  }
0x3f: {  	_ =	swait.ge [sflag:s11], $0x4000  }
0x40: {  	[sflag:s11] =	ssyncset.done $0x0  }
0x41: {  	s17 =	rddreg [dreg:$0xa];
	[sflag:s11] =	ssyncadd.s32 $0xFFFFC000  }
0x42: {  	[hbm4b:s17+s3] =	stream.linear.scatter [tilespmem:s7], [sflag:$0x4], $0x4000, $0x38;
	[tilespmem:$0x8680] =	vst v63  }
0x43: {  	_ =	swait.ge [sflag:s12], $0x4000  }
0x44: {  	[sflag:s12] =	ssyncset.done $0x0  }
0x45: {  	s17 =	simm.s32 $0x380;
	[sflag:s12] =	ssyncadd.s32 $0xFFFFC000  }
0x46: {  	[tilespmem:s7], [sflag:$0x2] =	stream.indirect.gather [hbm4b:s1+s5], $0x80, s17, s5, $0xb8;
	[tilespmem:$0x8680] =	vst v63  }
0x47: {  	_ =	swait.ge [sflag:s8], $0x4000  }
0x48: {  	[sflag:s8] =	ssyncset.done $0x0  }
0x49: {  	s18 =	sadd.s32 $0x3000, s31;
	[sflag:s8] =	ssyncadd.s32 $0xFFFFC000  }
0x4a: {  	[hbm4b:s18+s3] =	stream.linear.scatter [tilespmem:s6], [sflag:$0x3], $0x4000, $0x38;
	[tilespmem:$0x8680] =	vst v63  }
0x4b: {  	_ =	swait.ge [sflag:s9], $0x4000  }
0x4c: {  	[sflag:s9] =	ssyncset.done $0x0  }
0x4d: {  	s19 =	simm.s32 $0x400;
	[sflag:s9] =	ssyncadd.s32 $0xFFFFC000  }
0x4e: {  	[tilespmem:s6], [sflag:$0x1] =	stream.indirect.gather [hbm4b:s1+s5], $0x80, s19, s5, $0xb8;
	[tilespmem:$0x8680] =	vst v63  }
0x4f: {  	_ =	swait.ge [sflag:s11], $0x4000  }
0x50: {  	[sflag:s11] =	ssyncset.done $0x0  }
0x51: {  	s20 =	sadd.s32 $0x3800, s31;
	[sflag:s11] =	ssyncadd.s32 $0xFFFFC000  }
0x52: {  	[hbm4b:s20+s3] =	stream.linear.scatter [tilespmem:s7], [sflag:$0x4], $0x4000, $0x38;
	[tilespmem:$0x8680] =	vst v63  }
0x53: {  	_ =	swait.ge [sflag:s12], $0x4000  }
0x54: {  	[sflag:s12] =	ssyncset.done $0x0  }
0x55: {  	s21 =	simm.s32 $0x480;
	[sflag:s12] =	ssyncadd.s32 $0xFFFFC000  }
0x56: {  	[tilespmem:s7], [sflag:$0x2] =	stream.indirect.gather [hbm4b:s1+s5], $0x80, s21, s5, $0xb8;
	[tilespmem:$0x8680] =	vst v63  }
0x57: {  	_ =	swait.ge [sflag:s8], $0x4000  }
0x58: {  	[sflag:s8] =	ssyncset.done $0x0  }
0x59: {  	s22 =	sadd.s32 $0x4000, s31;
	[sflag:s8] =	ssyncadd.s32 $0xFFFFC000  }
0x5a: {  	[hbm4b:s22+s3] =	stream.linear.scatter [tilespmem:s6], [sflag:$0x3], $0x4000, $0x38;
	[tilespmem:$0x8680] =	vst v63  }
0x5b: {  	_ =	swait.ge [sflag:s9], $0x4000  }
0x5c: {  	[sflag:s9] =	ssyncset.done $0x0  }
0x5d: {  	s23 =	simm.s32 $0x500;
	[sflag:s9] =	ssyncadd.s32 $0xFFFFC000  }
0x5e: {  	[tilespmem:s6], [sflag:$0x1] =	stream.indirect.gather [hbm4b:s1+s5], $0x80, s23, s5, $0xb8;
	[tilespmem:$0x8680] =	vst v63  }
0x5f: {  	_ =	swait.ge [sflag:s11], $0x4000  }
0x60: {  	[sflag:s11] =	ssyncset.done $0x0  }
0x61: {  	s24 =	sadd.s32 $0x4800, s31;
	[sflag:s11] =	ssyncadd.s32 $0xFFFFC000  }
0x62: {  	[hbm4b:s24+s3] =	stream.linear.scatter [tilespmem:s7], [sflag:$0x4], $0x4000, $0x38;
	[tilespmem:$0x8680] =	vst v63  }
0x63: {  	_ =	swait.ge [sflag:s12], $0x4000  }
0x64: {  	[sflag:s12] =	ssyncset.done $0x0  }
0x65: {  	s25 =	simm.s32 $0x580;
	[sflag:s12] =	ssyncadd.s32 $0xFFFFC000  }
0x66: {  	[tilespmem:s7], [sflag:$0x2] =	stream.indirect.gather [hbm4b:s1+s5], $0x80, s25, s5, $0xb8;
	[tilespmem:$0x8680] =	vst v63  }
0x67: {  	_ =	swait.ge [sflag:s8], $0x4000  }
0x68: {  	[sflag:s8] =	ssyncset.done $0x0  }
0x69: {  	s26 =	sadd.s32 $0x5000, s31;
	[sflag:s8] =	ssyncadd.s32 $0xFFFFC000  }
0x6a: {  	[hbm4b:s26+s3] =	stream.linear.scatter [tilespmem:s6], [sflag:$0x3], $0x4000, $0x38;
	[tilespmem:$0x8680] =	vst v63  }
0x6b: {  	_ =	swait.ge [sflag:s9], $0x4000  }
0x6c: {  	[sflag:s9] =	ssyncset.done $0x0  }
0x6d: {  	s28 =	simm.s32 $0x40;
	s29 =	simm.s32 $0x600;
	[sflag:s9] =	ssyncadd.s32 $0xFFFFC000  }
0x6e: {  	[tilespmem:s6], [sflag:$0x1] =	stream.indirect.gather [hbm4b:s1+s28], $0x80, s29, s28, $0xb8;
	[tilespmem:$0x8680] =	vst v63  }
0x6f: {  	_ =	swait.ge [sflag:s11], $0x4000  }
0x70: {  	s2 =	ssub.s32 $0x2, s2;
	[sflag:s11] =	ssyncset.done $0x0  }
0x71: {  	s0 =	sshrl.u32 s2, $0x1;
	s30 =	sadd.s32 $0x5800, s31;
	[sflag:s11] =	ssyncadd.s32 $0xFFFFC000  }
0x72: {  	[hbm4b:s30+s3] =	stream.linear.scatter [tilespmem:s7], [sflag:$0x4], $0x4000, $0x38;
	[tilespmem:$0x8680] =	vst v63  }
0x73: {  	s0 =	ssub.s32 s2, s0;
	_ =	swait.ge [sflag:s8], $0x2000  }
0x74: {  	s0 =	smax.u32 s0, $0x1;
	[sflag:s8] =	ssyncset.done $0x0  }
0x75: {  	p0 =	sne.s32 s0, $0x1;
	s31 =	sadd.s32 $0x6000, s31;
	[sflag:s8] =	ssyncadd.s32 $0xFFFFE000  }
0x76: {  	[hbm4b:s31+s3] =	stream.linear.scatter [tilespmem:s6], [sflag:$0x3], $0x2000, $0x38;
	[tilespmem:$0x8680] =	vst v63  }
.Ltmp0:
0x77: {  	_ =	swait.ge [sflag:s9], $0x2000;
	(pc) =	sbr.rel @!p0 .LBB2_2-.Ltmp0, $4  }
0x78: {  	[sflag:s9] =	ssyncset.done $0x0  }
0x79: {  	[sflag:s9] =	ssyncadd.s32 $0xFFFFE000  }
0x7a: {  	_ =	swait.ge [sflag:s12], $0x4000  }
0x7b: {  	s2 =	sadd.s32 $0xFFFFFFFF, s0;
	[sflag:s12] =	ssyncset.done $0x0  }
.LBB2_1:
0x7c: {  	s0 =	rddreg [dreg:$0x4];
	[sflag:s12] =	ssyncadd.s32 $0xFFFFC000  }
0x7d: {  	[tilespmem:s3], [sflag:$0x5] =	stream.linear.gather [hbm4b:s0+s3], $0x640, $0x38;
	[tilespmem:$0x8680] =	vst v63  }
0x7e: {  	_ =	swait.ge [sflag:s4], $0x640  }
0x7f: {  	[sflag:s4] =	ssyncset.done $0x0  }
0x80: {  	[sflag:s4] =	ssyncadd.s32 $0xFFFFF9C0  }
0x81: {  	[tilespmem:s6], [sflag:$0x1] =	stream.indirect.gather [hbm4b:s1+s5], $0x80, s3, s5, $0xb8;
	[tilespmem:$0x8680] =	vst v63  }
0x82: {  	_ = 	snop  }
0x83: {  	[tilespmem:s7], [sflag:$0x2] =	stream.indirect.gather [hbm4b:s1+s5], $0x80, s5, s5, $0xb8;
	[tilespmem:$0x8680] =	vst v63  }
0x84: {  	_ =	swait.ge [sflag:s8], $0x4000  }
0x85: {  	[sflag:s8] =	ssyncset.done $0x0  }
0x86: {  	s0 =	rddreg [dreg:$0x5];
	[sflag:s8] =	ssyncadd.s32 $0xFFFFC000  }
0x87: {  	[hbm4b:s0+s3] =	stream.linear.scatter [tilespmem:s6], [sflag:$0x3], $0x4000, $0x38;
	[tilespmem:$0x8680] =	vst v63  }
0x88: {  	_ =	swait.ge [sflag:s9], $0x4000  }
0x89: {  	[sflag:s9] =	ssyncset.done $0x0  }
0x8a: {  	[sflag:s9] =	ssyncadd.s32 $0xFFFFC000  }
0x8b: {  	[tilespmem:s6], [sflag:$0x1] =	stream.indirect.gather [hbm4b:s1+s5], $0x80, s10, s5, $0xb8;
	[tilespmem:$0x8680] =	vst v63  }
0x8c: {  	_ =	swait.ge [sflag:s11], $0x4000  }
0x8d: {  	[sflag:s11] =	ssyncset.done $0x0  }
0x8e: {  	s0 =	rddreg [dreg:$0x6];
	[sflag:s11] =	ssyncadd.s32 $0xFFFFC000  }
0x8f: {  	[hbm4b:s0+s3] =	stream.linear.scatter [tilespmem:s7], [sflag:$0x4], $0x4000, $0x38;
	[tilespmem:$0x8680] =	vst v63  }
0x90: {  	_ =	swait.ge [sflag:s12], $0x4000  }
0x91: {  	[sflag:s12] =	ssyncset.done $0x0  }
0x92: {  	[sflag:s12] =	ssyncadd.s32 $0xFFFFC000  }
0x93: {  	[tilespmem:s7], [sflag:$0x2] =	stream.indirect.gather [hbm4b:s1+s5], $0x80, s13, s5, $0xb8;
	[tilespmem:$0x8680] =	vst v63  }
0x94: {  	_ =	swait.ge [sflag:s8], $0x4000  }
0x95: {  	[sflag:s8] =	ssyncset.done $0x0  }
0x96: {  	s0 =	rddreg [dreg:$0x7];
	[sflag:s8] =	ssyncadd.s32 $0xFFFFC000  }
0x97: {  	[hbm4b:s0+s3] =	stream.linear.scatter [tilespmem:s6], [sflag:$0x3], $0x4000, $0x38;
	[tilespmem:$0x8680] =	vst v63  }
0x98: {  	_ =	swait.ge [sflag:s9], $0x4000  }
0x99: {  	[sflag:s9] =	ssyncset.done $0x0  }
0x9a: {  	[sflag:s9] =	ssyncadd.s32 $0xFFFFC000  }
0x9b: {  	[tilespmem:s6], [sflag:$0x1] =	stream.indirect.gather [hbm4b:s1+s5], $0x80, s14, s5, $0xb8;
	[tilespmem:$0x8680] =	vst v63  }
0x9c: {  	_ =	swait.ge [sflag:s11], $0x4000  }
0x9d: {  	[sflag:s11] =	ssyncset.done $0x0  }
0x9e: {  	s0 =	rddreg [dreg:$0x8];
	[sflag:s11] =	ssyncadd.s32 $0xFFFFC000  }
0x9f: {  	[hbm4b:s0+s3] =	stream.linear.scatter [tilespmem:s7], [sflag:$0x4], $0x4000, $0x38;
	[tilespmem:$0x8680] =	vst v63  }
0xa0: {  	_ =	swait.ge [sflag:s12], $0x4000  }
0xa1: {  	[sflag:s12] =	ssyncset.done $0x0  }
0xa2: {  	[sflag:s12] =	ssyncadd.s32 $0xFFFFC000  }
0xa3: {  	[tilespmem:s7], [sflag:$0x2] =	stream.indirect.gather [hbm4b:s1+s5], $0x80, s15, s5, $0xb8;
	[tilespmem:$0x8680] =	vst v63  }
0xa4: {  	_ =	swait.ge [sflag:s8], $0x4000  }
0xa5: {  	[sflag:s8] =	ssyncset.done $0x0  }
0xa6: {  	s0 =	rddreg [dreg:$0x9];
	[sflag:s8] =	ssyncadd.s32 $0xFFFFC000  }
0xa7: {  	[hbm4b:s0+s3] =	stream.linear.scatter [tilespmem:s6], [sflag:$0x3], $0x4000, $0x38;
	[tilespmem:$0x8680] =	vst v63  }
0xa8: {  	_ =	swait.ge [sflag:s9], $0x4000  }
0xa9: {  	[sflag:s9] =	ssyncset.done $0x0  }
0xaa: {  	[sflag:s9] =	ssyncadd.s32 $0xFFFFC000  }
0xab: {  	[tilespmem:s6], [sflag:$0x1] =	stream.indirect.gather [hbm4b:s1+s5], $0x80, s16, s5, $0xb8;
	[tilespmem:$0x8680] =	vst v63  }
0xac: {  	_ =	swait.ge [sflag:s11], $0x4000  }
0xad: {  	[sflag:s11] =	ssyncset.done $0x0  }
0xae: {  	s0 =	rddreg [dreg:$0xa];
	[sflag:s11] =	ssyncadd.s32 $0xFFFFC000  }
0xaf: {  	[hbm4b:s0+s3] =	stream.linear.scatter [tilespmem:s7], [sflag:$0x4], $0x4000, $0x38;
	[tilespmem:$0x8680] =	vst v63  }
0xb0: {  	_ =	swait.ge [sflag:s12], $0x4000  }
0xb1: {  	[sflag:s12] =	ssyncset.done $0x0  }
0xb2: {  	[sflag:s12] =	ssyncadd.s32 $0xFFFFC000  }
0xb3: {  	[tilespmem:s7], [sflag:$0x2] =	stream.indirect.gather [hbm4b:s1+s5], $0x80, s17, s5, $0xb8;
	[tilespmem:$0x8680] =	vst v63  }
0xb4: {  	_ =	swait.ge [sflag:s8], $0x4000  }
0xb5: {  	[sflag:s8] =	ssyncset.done $0x0  }
0xb6: {  	[sflag:s8] =	ssyncadd.s32 $0xFFFFC000  }
0xb7: {  	[hbm4b:s18+s3] =	stream.linear.scatter [tilespmem:s6], [sflag:$0x3], $0x4000, $0x38;
	[tilespmem:$0x8680] =	vst v63  }
0xb8: {  	_ =	swait.ge [sflag:s9], $0x4000  }
0xb9: {  	[sflag:s9] =	ssyncset.done $0x0  }
0xba: {  	[sflag:s9] =	ssyncadd.s32 $0xFFFFC000  }
0xbb: {  	[tilespmem:s6], [sflag:$0x1] =	stream.indirect.gather [hbm4b:s1+s5], $0x80, s19, s5, $0xb8;
	[tilespmem:$0x8680] =	vst v63  }
0xbc: {  	_ =	swait.ge [sflag:s11], $0x4000  }
0xbd: {  	[sflag:s11] =	ssyncset.done $0x0  }
0xbe: {  	[sflag:s11] =	ssyncadd.s32 $0xFFFFC000  }
0xbf: {  	[hbm4b:s20+s3] =	stream.linear.scatter [tilespmem:s7], [sflag:$0x4], $0x4000, $0x38;
	[tilespmem:$0x8680] =	vst v63  }
0xc0: {  	_ =	swait.ge [sflag:s12], $0x4000  }
0xc1: {  	[sflag:s12] =	ssyncset.done $0x0  }
0xc2: {  	[sflag:s12] =	ssyncadd.s32 $0xFFFFC000  }
0xc3: {  	[tilespmem:s7], [sflag:$0x2] =	stream.indirect.gather [hbm4b:s1+s5], $0x80, s21, s5, $0xb8;
	[tilespmem:$0x8680] =	vst v63  }
0xc4: {  	_ =	swait.ge [sflag:s8], $0x4000  }
0xc5: {  	[sflag:s8] =	ssyncset.done $0x0  }
0xc6: {  	[sflag:s8] =	ssyncadd.s32 $0xFFFFC000  }
0xc7: {  	[hbm4b:s22+s3] =	stream.linear.scatter [tilespmem:s6], [sflag:$0x3], $0x4000, $0x38;
	[tilespmem:$0x8680] =	vst v63  }
0xc8: {  	_ =	swait.ge [sflag:s9], $0x4000  }
0xc9: {  	[sflag:s9] =	ssyncset.done $0x0  }
0xca: {  	[sflag:s9] =	ssyncadd.s32 $0xFFFFC000  }
0xcb: {  	[tilespmem:s6], [sflag:$0x1] =	stream.indirect.gather [hbm4b:s1+s5], $0x80, s23, s5, $0xb8;
	[tilespmem:$0x8680] =	vst v63  }
0xcc: {  	_ =	swait.ge [sflag:s11], $0x4000  }
0xcd: {  	[sflag:s11] =	ssyncset.done $0x0  }
0xce: {  	[sflag:s11] =	ssyncadd.s32 $0xFFFFC000  }
0xcf: {  	[hbm4b:s24+s3] =	stream.linear.scatter [tilespmem:s7], [sflag:$0x4], $0x4000, $0x38;
	[tilespmem:$0x8680] =	vst v63  }
0xd0: {  	_ =	swait.ge [sflag:s12], $0x4000  }
0xd1: {  	[sflag:s12] =	ssyncset.done $0x0  }
0xd2: {  	[sflag:s12] =	ssyncadd.s32 $0xFFFFC000  }
0xd3: {  	[tilespmem:s7], [sflag:$0x2] =	stream.indirect.gather [hbm4b:s1+s5], $0x80, s25, s5, $0xb8;
	[tilespmem:$0x8680] =	vst v63  }
0xd4: {  	_ =	swait.ge [sflag:s8], $0x4000  }
0xd5: {  	[sflag:s8] =	ssyncset.done $0x0  }
0xd6: {  	[sflag:s8] =	ssyncadd.s32 $0xFFFFC000  }
0xd7: {  	[hbm4b:s26+s3] =	stream.linear.scatter [tilespmem:s6], [sflag:$0x3], $0x4000, $0x38;
	[tilespmem:$0x8680] =	vst v63  }
0xd8: {  	_ =	swait.ge [sflag:s9], $0x4000  }
0xd9: {  	[sflag:s9] =	ssyncset.done $0x0  }
0xda: {  	[sflag:s9] =	ssyncadd.s32 $0xFFFFC000  }
0xdb: {  	[tilespmem:s6], [sflag:$0x1] =	stream.indirect.gather [hbm4b:s1+s28], $0x80, s29, s28, $0xb8;
	[tilespmem:$0x8680] =	vst v63  }
0xdc: {  	_ =	swait.ge [sflag:s11], $0x4000  }
0xdd: {  	[sflag:s11] =	ssyncset.done $0x0  }
0xde: {  	[sflag:s11] =	ssyncadd.s32 $0xFFFFC000  }
0xdf: {  	[hbm4b:s30+s3] =	stream.linear.scatter [tilespmem:s7], [sflag:$0x4], $0x4000, $0x38;
	[tilespmem:$0x8680] =	vst v63  }
0xe0: {  	_ =	swait.ge [sflag:s8], $0x2000  }
0xe1: {  	[sflag:s8] =	ssyncset.done $0x0  }
0xe2: {  	p0 =	sne.s32 s2, $0x1;
	[sflag:s8] =	ssyncadd.s32 $0xFFFFE000  }
0xe3: {  	[hbm4b:s31+s3] =	stream.linear.scatter [tilespmem:s6], [sflag:$0x3], $0x2000, $0x38;
	[tilespmem:$0x8680] =	vst v63  }
.Ltmp1:
0xe4: {  	_ =	swait.ge [sflag:s9], $0x2000;
	(pc) =	sbr.rel @p0 .LBB2_1-.Ltmp1, $4  }
0xe5: {  	[sflag:s9] =	ssyncset.done $0x0  }
0xe6: {  	[sflag:s9] =	ssyncadd.s32 $0xFFFFE000  }
0xe7: {  	_ =	swait.ge [sflag:s12], $0x4000  }
0xe8: {  	s2 =	sadd.s32 $0xFFFFFFFF, s2;
	[sflag:s12] =	ssyncset.done $0x0  }
.LBB2_2:
0xe9: {  	[sflag:s12] =	ssyncadd.s32 $0xFFFFC000  }
0xea: {  	_ =	sfence.sel $0x180000  }
0xeb: {  	[bflag:$0x0] =	sbarrier.arrive $0xFFFF  }
0xec: {  	_ =	strace $0x90000047  }
0xed: {  	s0 =	stileid.u32;
	[bflag:$0x2] =	sbarrier.arrive $0xFFFF  }
0xee: {  	p0 =	sne.s32 s0, $0x0;
	s0 =	rddreg [dreg:$0x3]  }
0xef: {  	s0 =	sadd.s32 @!p0 $0x100000, s0  }
0xf0: {  	[sflag:s0] =	ssyncadd.tile.s32 @!p0 $0x1;
	_ =	shalt  }
.Lfunc_end2:
_tile_overlayer_lowered:
.L_overlay_start_2:
0xf1: {  	(tag) =	ssettag $0x2  }
0xf2: {  	s0 =	rddreg [dreg:$0x0];
	s2 =	stileid.u32  }
0xf3: {  	s1 =	rddreg [dreg:$0x1];
	p0 =	sne.s32 s2, $0x0  }
0xf4: {  	s3 =	rddreg [dreg:$0x2];
	[bflag:$0x3] =	sbarrier.arrive $0xFFFF;
	s2 =	simm.s32 @!p0 $0x1C05  }
0xf5: {  	[timem:s3], [sflag:s2] =	dma.local @!p0 [hbm:s0], s1  }
0xf6: {  	s0 =	simm.s32 @!p0 $0x5  }
0xf7: {  	_ =	swait.ge @!p0 [sflag:s0], s1  }
0xf8: {  	s1 =	ssub.s32 @!p0 $0x0, s1;
	[sflag:s0] =	ssyncset.done @!p0 $0x0  }
0xf9: {  	[sflag:s0] =	ssyncadd.s32 @!p0 s1  }
0xfa: {  	[bflag:$0x3] =	sbarrier.arrive $0xFFFF  }
0xfb: {  	_ =	shalt  }

</sc_bundles>
